<compile_context>
chip_gen: v7x
topology: tpu7x:2x2x1
jax: 0.10.2.dev20260603
libtpu: 0.0.44.dev20260713+nightly
codegen_flags: <defaults>
</compile_context>

<pallas_src>
import functools

import jax
import jax.numpy as jnp
from jax import lax
from jax.experimental import pallas as pl
from jax.experimental.pallas import tpu as pltpu
from jax.experimental.pallas import tpu_sc as plsc

HIDDEN = 768

_info = plsc.get_sparse_core_info()
_NC, _NS = _info.num_cores, _info.num_subcores
_NW = _NC * _NS


def _sc_gather(ids2d, word_table, chunk):
    batch, seq = ids2d.shape
    n_tokens = batch * seq
    b_per_w = n_tokens // _NW
    n_chunks = b_per_w // chunk
    w_per_batch = _NW // batch
    mesh = plsc.VectorSubcoreMesh(core_axis_name="c", subcore_axis_name="s")

    @functools.partial(
        pl.kernel,
        mesh=mesh,
        out_type=jax.ShapeDtypeStruct((n_tokens, HIDDEN), jnp.float32),
        scratch_types=[
            pltpu.VMEM((2, chunk), jnp.int32),
            pltpu.VMEM((2, chunk, HIDDEN), jnp.float32),
            pltpu.SemaphoreType.DMA,
            pltpu.SemaphoreType.DMA,
        ],
    )
    def gather_kernel(idx_hbm, table_hbm, out_hbm, idx_v, rows_v, sem0, sem1):
        wid = lax.axis_index("s") * _NC + lax.axis_index("c")
        b = wid // w_per_batch
        col = (wid % w_per_batch) * b_per_w
        dst_base = wid * b_per_w
        sems = (sem0, sem1)
        copies = [None, None]
        pltpu.sync_copy(idx_hbm.at[b, pl.ds(col, chunk)], idx_v.at[0])
        copies[0] = pltpu.async_copy(table_hbm.at[idx_v.at[0]], rows_v.at[0], sems[0])
        for c in range(n_chunks):
            cur = c % 2
            nxt = (c + 1) % 2
            if c + 1 < n_chunks:
                pltpu.sync_copy(idx_hbm.at[b, pl.ds(col + (c + 1) * chunk, chunk)],
                                idx_v.at[nxt])
                copies[nxt] = pltpu.async_copy(
                    table_hbm.at[idx_v.at[nxt]], rows_v.at[nxt], sems[nxt])
            copies[cur].wait()
            pltpu.sync_copy(rows_v.at[cur],
                            out_hbm.at[pl.ds(dst_base + c * chunk, chunk)])

    return gather_kernel(ids2d, word_table)


def _tc_ln_body(g_ref, tt_ref, pos_ref, type_ref, w_ref, b_ref, o_ref):
    t0 = type_ref[0:1, :]
    t1 = type_ref[1:2, :]
    tt = tt_ref[...].astype(jnp.float32)
    x = g_ref[...] + pos_ref[...] + t0 + tt * (t1 - t0)
    mu = jnp.mean(x, axis=-1, keepdims=True)
    ex2 = jnp.mean(x * x, axis=-1, keepdims=True)
    var = ex2 - mu * mu
    r = lax.rsqrt(var + 1e-12)
    o_ref[...] = (x - mu) * (r * w_ref[...]) + b_ref[...]


def _tc_ln(gathered, tti, pos_table, type_table, ln_w, ln_b, n_tokens, blk, seq):
    pos_blocks = seq // blk
    batch = n_tokens // seq
    grid = (pos_blocks, batch)
    tok = lambda p, b: (b * pos_blocks + p, 0)
    return pl.pallas_call(
        _tc_ln_body,
        grid=grid,
        in_specs=[
            pl.BlockSpec((blk, HIDDEN), tok),
            pl.BlockSpec((blk, 1), tok),
            pl.BlockSpec((blk, HIDDEN), lambda p, b: (p, 0)),
            pl.BlockSpec((2, HIDDEN), lambda p, b: (0, 0)),
            pl.BlockSpec((1, HIDDEN), lambda p, b: (0, 0)),
            pl.BlockSpec((1, HIDDEN), lambda p, b: (0, 0)),
        ],
        out_specs=pl.BlockSpec((blk, HIDDEN), tok),
        out_shape=jax.ShapeDtypeStruct((n_tokens, HIDDEN), jnp.float32),
    )(gathered, tti, pos_table, type_table, ln_w, ln_b)


def kernel(input_ids, token_type_ids, word_table, pos_table, type_table, ln_w, ln_b):
    batch, seq = input_ids.shape
    n_tokens = batch * seq
    tti = token_type_ids.reshape(-1, 1).astype(jnp.int32)

    gathered = _sc_gather(input_ids.astype(jnp.int32), word_table, chunk=64)
    out = _tc_ln(
        gathered, tti, pos_table, type_table,
        ln_w.reshape(1, HIDDEN), ln_b.reshape(1, HIDDEN),
        n_tokens, blk=2048, seq=seq,
    )
    return out.reshape(batch, seq, HIDDEN)

# --- scband reference (transcript-rebuilt; emitter-appended) ---
"""Pipeline reference for scband-bert-embeddings-4836133175877 (READ-ONLY COPY).

The authoritative reference and input builder live on the scoring server;
editing this copy changes nothing except your own understanding.
"""

import jax, jax.numpy as jnp
import numpy as np

VOCAB = 30522
HIDDEN = 768
MAX_POS = 2048
TYPE_VOCAB = 2
BATCH = 4
SEQ = 2048


def setup_inputs(seed: int = 0) -> dict:
    key = jax.random.key(seed)
    k1, k2, k3, k4, k5 = jax.random.split(key, 5)
    input_ids = jax.random.randint(k1, (BATCH, SEQ), 0, VOCAB, dtype=jnp.int64 if jax.config.jax_enable_x64 else jnp.int32)
    token_type_ids = jax.random.randint(k2, (BATCH, SEQ), 0, TYPE_VOCAB, dtype=input_ids.dtype)
    word_table = jax.random.normal(k3, (VOCAB, HIDDEN), dtype=jnp.float32) * 0.02
    word_table = word_table.at[0].set(0.0)  # padding_idx=0
    pos_table = jax.random.normal(k4, (MAX_POS, HIDDEN), dtype=jnp.float32) * 0.02
    type_table = jax.random.normal(k5, (TYPE_VOCAB, HIDDEN), dtype=jnp.float32) * 0.02
    ln_w = jnp.ones((HIDDEN,), dtype=jnp.float32)
    ln_b = jnp.zeros((HIDDEN,), dtype=jnp.float32)
    return {
        "input_ids": input_ids,
        "token_type_ids": token_type_ids,
        "word_table": word_table,
        "pos_table": pos_table,
        "type_table": type_table,
        "ln_w": ln_w,
        "ln_b": ln_b,
    }


def reference(input_ids, token_type_ids, word_table, pos_table, type_table, ln_w, ln_b):
    seq_length = input_ids.shape[1]
    word_embed = jnp.take(word_table, input_ids, axis=0)
    position_ids = jnp.arange(seq_length)[None, :]
    position_embd = jnp.take(pos_table, position_ids, axis=0)
    token_type_embd = jnp.take(type_table, token_type_ids, axis=0)
    embeddings = word_embed + position_embd + token_type_embd
    mu = jnp.mean(embeddings, axis=-1, keepdims=True)
    var = jnp.mean((embeddings - mu) ** 2, axis=-1, keepdims=True)
    embeddings = (embeddings - mu) / jnp.sqrt(var + 1e-12) * ln_w + ln_b
    # dropout: module is in train mode -> the `if not self.training` branch is skipped;
    # (and in eval mode nn.Dropout is identity anyway), so no dropout applied.
    return embeddings

if __name__ == "__main__":
    import jax
    _d = setup_inputs()
    print(jax.jit(kernel)(*tuple(_d.values())))

</pallas_src>

<mosaic_0001>
#map = affine_map<(d0, d1) -> (0, 0)>
module attributes {stable_mosaic.version = 14 : i64} {
  func.func @gather_kernel(%arg0: i32, %arg1: i32, %arg2: memref<4x2048xi32, #tpu.memory_space<hbm>>, %arg3: memref<30522x768xf32, #tpu.memory_space<hbm>>, %arg4: memref<8192x768xf32, #tpu.memory_space<hbm>>, %arg5: memref<2x64xi32, #tpu.memory_space<vmem>>, %arg6: memref<2x64x768xf32, #tpu.memory_space<vmem>>, %arg7: memref<!tpu.dma_semaphore, #tpu.memory_space<semaphore_mem>>, %arg8: memref<!tpu.dma_semaphore, #tpu.memory_space<semaphore_mem>>) attributes {dimension_semantics = [#tpu.dimension_semantics<core_parallel>, #tpu.dimension_semantics<subcore_parallel>], iteration_bounds = array<i64: 2, 16>, scalar_prefetch = 0 : i64, scratch_operands = 4 : i64, tpu.core_type = #tpu.core_type<sc_vector_subcore>, window_params = [{transform_indices = #map}, {transform_indices = #map}, {transform_indices = #map}]} {
    %mul3A = arith.constant 2 : i32
    %mul3A_0 = arith.muli %arg1, %mul3A : i32
    %add3A = arith.addi %mul3A_0, %arg0 : i32
    %jit3A = arith.constant 8 : i32
    %div3A = arith.divsi %add3A, %jit3A : i32
    %sign3A = arith.constant 0 : i32
    %sign3A_1 = arith.cmpi sgt, %add3A, %sign3A : i32
    %sign3A_2 = arith.extui %sign3A_1 : i1 to i32
    %sign3A_3 = arith.constant 0 : i32
    %sign3A_4 = arith.cmpi slt, %add3A, %sign3A_3 : i32
    %sign3A_5 = arith.extui %sign3A_4 : i1 to i32
    %sign3A_6 = arith.subi %sign3A_2, %sign3A_5 : i32
    %sign3A_7 = arith.constant 0 : i32
    %sign3A_8 = arith.cmpi sgt, %jit3A, %sign3A_7 : i32
    %sign3A_9 = arith.extui %sign3A_8 : i1 to i32
    %sign3A_10 = arith.constant 0 : i32
    %sign3A_11 = arith.cmpi slt, %jit3A, %sign3A_10 : i32
    %sign3A_12 = arith.extui %sign3A_11 : i1 to i32
    %sign3A_13 = arith.subi %sign3A_9, %sign3A_12 : i32
    %ne3A = arith.cmpi ne, %sign3A_6, %sign3A_13 : i32
    %rem3A = arith.remsi %add3A, %jit3A : i32
    %ne3A_14 = arith.constant 0 : i32
    %ne3A_15 = arith.cmpi ne, %rem3A, %ne3A_14 : i32
    %and3A = arith.andi %ne3A, %ne3A_15 : i1
    %sub3A = arith.constant 1 : i32
    %sub3A_16 = arith.subi %div3A, %sub3A : i32
    %select_n3A = arith.select %and3A, %sub3A_16, %div3A : i32
    %jit3A_17 = arith.constant 8 : i32
    %eq3A = arith.constant 0 : i32
    %eq3A_18 = arith.cmpi eq, %jit3A_17, %eq3A : i32
    %jit3A_19 = arith.constant 1 : i32
    %select_n3A_20 = arith.select %eq3A_18, %jit3A_19, %jit3A_17 : i32
    %rem3A_21 = arith.remsi %add3A, %select_n3A_20 : i32
    %ne3A_22 = arith.constant 0 : i32
    %ne3A_23 = arith.cmpi ne, %rem3A_21, %ne3A_22 : i32
    %lt3A = arith.constant 0 : i32
    %lt3A_24 = arith.cmpi slt, %rem3A_21, %lt3A : i32
    %lt3A_25 = arith.constant 0 : i32
    %lt3A_26 = arith.cmpi slt, %select_n3A_20, %lt3A_25 : i32
    %ne3A_27 = arith.xori %lt3A_24, %lt3A_26 : i1
    %and3A_28 = arith.andi %ne3A_27, %ne3A_23 : i1
    %add3A_29 = arith.addi %rem3A_21, %select_n3A_20 : i32
    %select_n3A_30 = arith.select %and3A_28, %add3A_29, %rem3A_21 : i32
    %mul3A_31 = arith.constant 256 : i32
    %mul3A_32 = arith.muli %select_n3A_30, %mul3A_31 : i32
    %mul3A_33 = arith.constant 256 : i32
    %mul3A_34 = arith.muli %add3A, %mul3A_33 : i32
    %run_scoped3A = arith.constant 0 : i32
    "tpu.region"() ({
      %run_scoped3A_150 = tpu.sem_alloc : memref<!tpu.dma_semaphore, #tpu.memory_space<semaphore_mem>>
      %dma_start3A_151 = arith.constant 0 : i32
      %dma_start3A_152 = tpu.memref_slice %arg5[%run_scoped3A, %dma_start3A_151] : memref<2x64xi32, #tpu.memory_space<vmem>> -> memref<1x64xi32, #tpu.memory_space<vmem>>
      %dma_start3A_153 = tpu.memref_squeeze %dma_start3A_152 : memref<1x64xi32, #tpu.memory_space<vmem>> -> memref<64xi32, #tpu.memory_space<vmem>>
      %dma_start3A_154 = tpu.memref_slice %arg2[%select_n3A, %mul3A_32] : memref<4x2048xi32, #tpu.memory_space<hbm>> -> memref<1x64xi32, #tpu.memory_space<hbm>>
      %dma_start3A_155 = tpu.memref_squeeze %dma_start3A_154 : memref<1x64xi32, #tpu.memory_space<hbm>> -> memref<64xi32, #tpu.memory_space<hbm>>
      %dma_start3A_156 = arith.constant 0 : i32
      %dma_start3A_157 = tpu.memref_slice %arg5[%run_scoped3A, %dma_start3A_156] : memref<2x64xi32, #tpu.memory_space<vmem>> -> memref<1x64xi32, #tpu.memory_space<vmem>>
      %dma_start3A_158 = tpu.memref_squeeze %dma_start3A_157 : memref<1x64xi32, #tpu.memory_space<vmem>> -> memref<64xi32, #tpu.memory_space<vmem>>
      %dma_start3A_159 = tpu.memref_slice %arg2[%select_n3A, %mul3A_32] : memref<4x2048xi32, #tpu.memory_space<hbm>> -> memref<1x64xi32, #tpu.memory_space<hbm>>
      %dma_start3A_160 = tpu.memref_squeeze %dma_start3A_159 : memref<1x64xi32, #tpu.memory_space<hbm>> -> memref<64xi32, #tpu.memory_space<hbm>>
      tpu.enqueue_dma source(%dma_start3A_160 : memref<64xi32, #tpu.memory_space<hbm>>) target(%dma_start3A_158 : memref<64xi32, #tpu.memory_space<vmem>>) target_semaphore(%run_scoped3A_150 : memref<!tpu.dma_semaphore, #tpu.memory_space<semaphore_mem>>)
      %dma_wait3A_161 = arith.constant 0 : i32
      %dma_wait3A_162 = tpu.memref_slice %arg5[%run_scoped3A, %dma_wait3A_161] : memref<2x64xi32, #tpu.memory_space<vmem>> -> memref<1x64xi32, #tpu.memory_space<vmem>>
      %dma_wait3A_163 = tpu.memref_squeeze %dma_wait3A_162 : memref<1x64xi32, #tpu.memory_space<vmem>> -> memref<64xi32, #tpu.memory_space<vmem>>
      %dma_wait3A_164 = tpu.memref_slice %arg2[%select_n3A, %mul3A_32] : memref<4x2048xi32, #tpu.memory_space<hbm>> -> memref<1x64xi32, #tpu.memory_space<hbm>>
      %dma_wait3A_165 = tpu.memref_squeeze %dma_wait3A_164 : memref<1x64xi32, #tpu.memory_space<hbm>> -> memref<64xi32, #tpu.memory_space<hbm>>
      %dma_wait3A_166 = arith.constant 0 : i32
      %dma_wait3A_167 = tpu.memref_slice %arg5[%run_scoped3A, %dma_wait3A_166] : memref<2x64xi32, #tpu.memory_space<vmem>> -> memref<1x64xi32, #tpu.memory_space<vmem>>
      %dma_wait3A_168 = tpu.memref_squeeze %dma_wait3A_167 : memref<1x64xi32, #tpu.memory_space<vmem>> -> memref<64xi32, #tpu.memory_space<vmem>>
      %dma_wait3A_169 = tpu.memref_slice %arg2[%select_n3A, %mul3A_32] : memref<4x2048xi32, #tpu.memory_space<hbm>> -> memref<1x64xi32, #tpu.memory_space<hbm>>
      %dma_wait3A_170 = tpu.memref_squeeze %dma_wait3A_169 : memref<1x64xi32, #tpu.memory_space<hbm>> -> memref<64xi32, #tpu.memory_space<hbm>>
      tpu.wait_dma2 semaphore(%run_scoped3A_150 : memref<!tpu.dma_semaphore, #tpu.memory_space<semaphore_mem>>) src(%dma_wait3A_170 : memref<64xi32, #tpu.memory_space<hbm>>) dst(%dma_wait3A_168 : memref<64xi32, #tpu.memory_space<vmem>>)
      tpu.yield
    }) : () -> ()
    %dma_start3A = arith.constant 0 : i32
    %dma_start3A_35 = arith.constant 0 : i32
    %dma_start3A_36 = arith.constant 0 : i32
    %dma_start3A_37 = arith.constant 0 : i32
    %dma_start3A_38 = tpu.memref_slice %arg6[%dma_start3A_35, %dma_start3A_36, %dma_start3A_37] : memref<2x64x768xf32, #tpu.memory_space<vmem>> -> memref<1x64x768xf32, #tpu.memory_space<vmem>>
    %dma_start3A_39 = tpu.memref_squeeze %dma_start3A_38 : memref<1x64x768xf32, #tpu.memory_space<vmem>> -> memref<64x768xf32, #tpu.memory_space<vmem>>
    %dma_start3A_40 = arith.constant 0 : i32
    %dma_start3A_41 = tpu.memref_slice %arg5[%dma_start3A, %dma_start3A_40] : memref<2x64xi32, #tpu.memory_space<vmem>> -> memref<1x64xi32, #tpu.memory_space<vmem>>
    %dma_start3A_42 = tpu.memref_squeeze %dma_start3A_41 : memref<1x64xi32, #tpu.memory_space<vmem>> -> memref<64xi32, #tpu.memory_space<vmem>>
    %dma_start3A_43 = arith.constant 0 : i32
    %dma_start3A_44 = arith.constant 0 : i32
    %dma_start3A_45 = tpu.memref_slice %arg3[%dma_start3A_43, %dma_start3A_44] : memref<30522x768xf32, #tpu.memory_space<hbm>> -> memref<30522x768xf32, #tpu.memory_space<hbm>>
    tpu.enqueue_indirect_dma source(%dma_start3A_45 : memref<30522x768xf32, #tpu.memory_space<hbm>>) target(%dma_start3A_39 : memref<64x768xf32, #tpu.memory_space<vmem>>) offsets(%dma_start3A_42 : memref<64xi32, #tpu.memory_space<vmem>>) semaphore(%arg7 : memref<!tpu.dma_semaphore, #tpu.memory_space<semaphore_mem>>)
    %add3A_46 = arith.constant 64 : i32
    %add3A_47 = arith.addi %mul3A_32, %add3A_46 : i32
    %run_scoped3A_48 = arith.constant 1 : i32
    "tpu.region"() ({
      %run_scoped3A_150 = tpu.sem_alloc : memref<!tpu.dma_semaphore, #tpu.memory_space<semaphore_mem>>
      %dma_start3A_151 = arith.constant 0 : i32
      %dma_start3A_152 = tpu.memref_slice %arg5[%run_scoped3A_48, %dma_start3A_151] : memref<2x64xi32, #tpu.memory_space<vmem>> -> memref<1x64xi32, #tpu.memory_space<vmem>>
      %dma_start3A_153 = tpu.memref_squeeze %dma_start3A_152 : memref<1x64xi32, #tpu.memory_space<vmem>> -> memref<64xi32, #tpu.memory_space<vmem>>
      %dma_start3A_154 = tpu.memref_slice %arg2[%select_n3A, %add3A_47] : memref<4x2048xi32, #tpu.memory_space<hbm>> -> memref<1x64xi32, #tpu.memory_space<hbm>>
      %dma_start3A_155 = tpu.memref_squeeze %dma_start3A_154 : memref<1x64xi32, #tpu.memory_space<hbm>> -> memref<64xi32, #tpu.memory_space<hbm>>
      %dma_start3A_156 = arith.constant 0 : i32
      %dma_start3A_157 = tpu.memref_slice %arg5[%run_scoped3A_48, %dma_start3A_156] : memref<2x64xi32, #tpu.memory_space<vmem>> -> memref<1x64xi32, #tpu.memory_space<vmem>>
      %dma_start3A_158 = tpu.memref_squeeze %dma_start3A_157 : memref<1x64xi32, #tpu.memory_space<vmem>> -> memref<64xi32, #tpu.memory_space<vmem>>
      %dma_start3A_159 = tpu.memref_slice %arg2[%select_n3A, %add3A_47] : memref<4x2048xi32, #tpu.memory_space<hbm>> -> memref<1x64xi32, #tpu.memory_space<hbm>>
      %dma_start3A_160 = tpu.memref_squeeze %dma_start3A_159 : memref<1x64xi32, #tpu.memory_space<hbm>> -> memref<64xi32, #tpu.memory_space<hbm>>
      tpu.enqueue_dma source(%dma_start3A_160 : memref<64xi32, #tpu.memory_space<hbm>>) target(%dma_start3A_158 : memref<64xi32, #tpu.memory_space<vmem>>) target_semaphore(%run_scoped3A_150 : memref<!tpu.dma_semaphore, #tpu.memory_space<semaphore_mem>>)
      %dma_wait3A_161 = arith.constant 0 : i32
      %dma_wait3A_162 = tpu.memref_slice %arg5[%run_scoped3A_48, %dma_wait3A_161] : memref<2x64xi32, #tpu.memory_space<vmem>> -> memref<1x64xi32, #tpu.memory_space<vmem>>
      %dma_wait3A_163 = tpu.memref_squeeze %dma_wait3A_162 : memref<1x64xi32, #tpu.memory_space<vmem>> -> memref<64xi32, #tpu.memory_space<vmem>>
      %dma_wait3A_164 = tpu.memref_slice %arg2[%select_n3A, %add3A_47] : memref<4x2048xi32, #tpu.memory_space<hbm>> -> memref<1x64xi32, #tpu.memory_space<hbm>>
      %dma_wait3A_165 = tpu.memref_squeeze %dma_wait3A_164 : memref<1x64xi32, #tpu.memory_space<hbm>> -> memref<64xi32, #tpu.memory_space<hbm>>
      %dma_wait3A_166 = arith.constant 0 : i32
      %dma_wait3A_167 = tpu.memref_slice %arg5[%run_scoped3A_48, %dma_wait3A_166] : memref<2x64xi32, #tpu.memory_space<vmem>> -> memref<1x64xi32, #tpu.memory_space<vmem>>
      %dma_wait3A_168 = tpu.memref_squeeze %dma_wait3A_167 : memref<1x64xi32, #tpu.memory_space<vmem>> -> memref<64xi32, #tpu.memory_space<vmem>>
      %dma_wait3A_169 = tpu.memref_slice %arg2[%select_n3A, %add3A_47] : memref<4x2048xi32, #tpu.memory_space<hbm>> -> memref<1x64xi32, #tpu.memory_space<hbm>>
      %dma_wait3A_170 = tpu.memref_squeeze %dma_wait3A_169 : memref<1x64xi32, #tpu.memory_space<hbm>> -> memref<64xi32, #tpu.memory_space<hbm>>
      tpu.wait_dma2 semaphore(%run_scoped3A_150 : memref<!tpu.dma_semaphore, #tpu.memory_space<semaphore_mem>>) src(%dma_wait3A_170 : memref<64xi32, #tpu.memory_space<hbm>>) dst(%dma_wait3A_168 : memref<64xi32, #tpu.memory_space<vmem>>)
      tpu.yield
    }) : () -> ()
    %dma_start3A_49 = arith.constant 1 : i32
    %dma_start3A_50 = arith.constant 1 : i32
    %dma_start3A_51 = arith.constant 0 : i32
    %dma_start3A_52 = arith.constant 0 : i32
    %dma_start3A_53 = tpu.memref_slice %arg6[%dma_start3A_50, %dma_start3A_51, %dma_start3A_52] : memref<2x64x768xf32, #tpu.memory_space<vmem>> -> memref<1x64x768xf32, #tpu.memory_space<vmem>>
    %dma_start3A_54 = tpu.memref_squeeze %dma_start3A_53 : memref<1x64x768xf32, #tpu.memory_space<vmem>> -> memref<64x768xf32, #tpu.memory_space<vmem>>
    %dma_start3A_55 = arith.constant 0 : i32
    %dma_start3A_56 = tpu.memref_slice %arg5[%dma_start3A_49, %dma_start3A_55] : memref<2x64xi32, #tpu.memory_space<vmem>> -> memref<1x64xi32, #tpu.memory_space<vmem>>
    %dma_start3A_57 = tpu.memref_squeeze %dma_start3A_56 : memref<1x64xi32, #tpu.memory_space<vmem>> -> memref<64xi32, #tpu.memory_space<vmem>>
    %dma_start3A_58 = arith.constant 0 : i32
    %dma_start3A_59 = arith.constant 0 : i32
    %dma_start3A_60 = tpu.memref_slice %arg3[%dma_start3A_58, %dma_start3A_59] : memref<30522x768xf32, #tpu.memory_space<hbm>> -> memref<30522x768xf32, #tpu.memory_space<hbm>>
    tpu.enqueue_indirect_dma source(%dma_start3A_60 : memref<30522x768xf32, #tpu.memory_space<hbm>>) target(%dma_start3A_54 : memref<64x768xf32, #tpu.memory_space<vmem>>) offsets(%dma_start3A_57 : memref<64xi32, #tpu.memory_space<vmem>>) semaphore(%arg8 : memref<!tpu.dma_semaphore, #tpu.memory_space<semaphore_mem>>)
    %dma_wait3A = arith.constant 0 : i32
    %dma_wait3A_61 = arith.constant 0 : i32
    %dma_wait3A_62 = arith.constant 0 : i32
    %dma_wait3A_63 = arith.constant 0 : i32
    %dma_wait3A_64 = tpu.memref_slice %arg6[%dma_wait3A_61, %dma_wait3A_62, %dma_wait3A_63] : memref<2x64x768xf32, #tpu.memory_space<vmem>> -> memref<1x64x768xf32, #tpu.memory_space<vmem>>
    %dma_wait3A_65 = tpu.memref_squeeze %dma_wait3A_64 : memref<1x64x768xf32, #tpu.memory_space<vmem>> -> memref<64x768xf32, #tpu.memory_space<vmem>>
    %dma_wait3A_66 = arith.constant 0 : i32
    %dma_wait3A_67 = tpu.memref_slice %arg5[%dma_wait3A, %dma_wait3A_66] : memref<2x64xi32, #tpu.memory_space<vmem>> -> memref<1x64xi32, #tpu.memory_space<vmem>>
    %dma_wait3A_68 = tpu.memref_squeeze %dma_wait3A_67 : memref<1x64xi32, #tpu.memory_space<vmem>> -> memref<64xi32, #tpu.memory_space<vmem>>
    %dma_wait3A_69 = arith.constant 0 : i32
    %dma_wait3A_70 = arith.constant 0 : i32
    %dma_wait3A_71 = tpu.memref_slice %arg3[%dma_wait3A_69, %dma_wait3A_70] : memref<30522x768xf32, #tpu.memory_space<hbm>> -> memref<30522x768xf32, #tpu.memory_space<hbm>>
    tpu.wait_indirect_dma semaphore(%arg7 : memref<!tpu.dma_semaphore, #tpu.memory_space<semaphore_mem>>) src(%dma_wait3A_71 : memref<30522x768xf32, #tpu.memory_space<hbm>>) dst(%dma_wait3A_65 : memref<64x768xf32, #tpu.memory_space<vmem>>)
    %add3A_72 = arith.constant 0 : i32
    %add3A_73 = arith.addi %mul3A_34, %add3A_72 : i32
    %run_scoped3A_74 = arith.constant 0 : i32
    "tpu.region"() ({
      %run_scoped3A_150 = tpu.sem_alloc : memref<!tpu.dma_semaphore, #tpu.memory_space<semaphore_mem>>
      %dma_start3A_151 = arith.constant 0 : i32
      %dma_start3A_152 = arith.constant 0 : i32
      %dma_start3A_153 = tpu.memref_slice %arg6[%run_scoped3A_74, %dma_start3A_151, %dma_start3A_152] : memref<2x64x768xf32, #tpu.memory_space<vmem>> -> memref<1x64x768xf32, #tpu.memory_space<vmem>>
      %dma_start3A_154 = tpu.memref_squeeze %dma_start3A_153 : memref<1x64x768xf32, #tpu.memory_space<vmem>> -> memref<64x768xf32, #tpu.memory_space<vmem>>
      %dma_start3A_155 = arith.constant 0 : i32
      %dma_start3A_156 = tpu.memref_slice %arg4[%add3A_73, %dma_start3A_155] : memref<8192x768xf32, #tpu.memory_space<hbm>> -> memref<64x768xf32, #tpu.memory_space<hbm>>
      %dma_start3A_157 = arith.constant 0 : i32
      %dma_start3A_158 = tpu.memref_slice %arg4[%add3A_73, %dma_start3A_157] : memref<8192x768xf32, #tpu.memory_space<hbm>> -> memref<64x768xf32, #tpu.memory_space<hbm>>
      %dma_start3A_159 = arith.constant 0 : i32
      %dma_start3A_160 = arith.constant 0 : i32
      %dma_start3A_161 = tpu.memref_slice %arg6[%run_scoped3A_74, %dma_start3A_159, %dma_start3A_160] : memref<2x64x768xf32, #tpu.memory_space<vmem>> -> memref<1x64x768xf32, #tpu.memory_space<vmem>>
      %dma_start3A_162 = tpu.memref_squeeze %dma_start3A_161 : memref<1x64x768xf32, #tpu.memory_space<vmem>> -> memref<64x768xf32, #tpu.memory_space<vmem>>
      tpu.enqueue_dma source(%dma_start3A_162 : memref<64x768xf32, #tpu.memory_space<vmem>>) target(%dma_start3A_158 : memref<64x768xf32, #tpu.memory_space<hbm>>) target_semaphore(%run_scoped3A_150 : memref<!tpu.dma_semaphore, #tpu.memory_space<semaphore_mem>>)
      %dma_wait3A_163 = arith.constant 0 : i32
      %dma_wait3A_164 = arith.constant 0 : i32
      %dma_wait3A_165 = tpu.memref_slice %arg6[%run_scoped3A_74, %dma_wait3A_163, %dma_wait3A_164] : memref<2x64x768xf32, #tpu.memory_space<vmem>> -> memref<1x64x768xf32, #tpu.memory_space<vmem>>
      %dma_wait3A_166 = tpu.memref_squeeze %dma_wait3A_165 : memref<1x64x768xf32, #tpu.memory_space<vmem>> -> memref<64x768xf32, #tpu.memory_space<vmem>>
      %dma_wait3A_167 = arith.constant 0 : i32
      %dma_wait3A_168 = tpu.memref_slice %arg4[%add3A_73, %dma_wait3A_167] : memref<8192x768xf32, #tpu.memory_space<hbm>> -> memref<64x768xf32, #tpu.memory_space<hbm>>
      %dma_wait3A_169 = arith.constant 0 : i32
      %dma_wait3A_170 = tpu.memref_slice %arg4[%add3A_73, %dma_wait3A_169] : memref<8192x768xf32, #tpu.memory_space<hbm>> -> memref<64x768xf32, #tpu.memory_space<hbm>>
      %dma_wait3A_171 = arith.constant 0 : i32
      %dma_wait3A_172 = arith.constant 0 : i32
      %dma_wait3A_173 = tpu.memref_slice %arg6[%run_scoped3A_74, %dma_wait3A_171, %dma_wait3A_172] : memref<2x64x768xf32, #tpu.memory_space<vmem>> -> memref<1x64x768xf32, #tpu.memory_space<vmem>>
      %dma_wait3A_174 = tpu.memref_squeeze %dma_wait3A_173 : memref<1x64x768xf32, #tpu.memory_space<vmem>> -> memref<64x768xf32, #tpu.memory_space<vmem>>
      tpu.wait_dma2 semaphore(%run_scoped3A_150 : memref<!tpu.dma_semaphore, #tpu.memory_space<semaphore_mem>>) src(%dma_wait3A_174 : memref<64x768xf32, #tpu.memory_space<vmem>>) dst(%dma_wait3A_170 : memref<64x768xf32, #tpu.memory_space<hbm>>)
      tpu.yield
    }) : () -> ()
    %add3A_75 = arith.constant 128 : i32
    %add3A_76 = arith.addi %mul3A_32, %add3A_75 : i32
    %run_scoped3A_77 = arith.constant 0 : i32
    "tpu.region"() ({
      %run_scoped3A_150 = tpu.sem_alloc : memref<!tpu.dma_semaphore, #tpu.memory_space<semaphore_mem>>
      %dma_start3A_151 = arith.constant 0 : i32
      %dma_start3A_152 = tpu.memref_slice %arg5[%run_scoped3A_77, %dma_start3A_151] : memref<2x64xi32, #tpu.memory_space<vmem>> -> memref<1x64xi32, #tpu.memory_space<vmem>>
      %dma_start3A_153 = tpu.memref_squeeze %dma_start3A_152 : memref<1x64xi32, #tpu.memory_space<vmem>> -> memref<64xi32, #tpu.memory_space<vmem>>
      %dma_start3A_154 = tpu.memref_slice %arg2[%select_n3A, %add3A_76] : memref<4x2048xi32, #tpu.memory_space<hbm>> -> memref<1x64xi32, #tpu.memory_space<hbm>>
      %dma_start3A_155 = tpu.memref_squeeze %dma_start3A_154 : memref<1x64xi32, #tpu.memory_space<hbm>> -> memref<64xi32, #tpu.memory_space<hbm>>
      %dma_start3A_156 = arith.constant 0 : i32
      %dma_start3A_157 = tpu.memref_slice %arg5[%run_scoped3A_77, %dma_start3A_156] : memref<2x64xi32, #tpu.memory_space<vmem>> -> memref<1x64xi32, #tpu.memory_space<vmem>>
      %dma_start3A_158 = tpu.memref_squeeze %dma_start3A_157 : memref<1x64xi32, #tpu.memory_space<vmem>> -> memref<64xi32, #tpu.memory_space<vmem>>
      %dma_start3A_159 = tpu.memref_slice %arg2[%select_n3A, %add3A_76] : memref<4x2048xi32, #tpu.memory_space<hbm>> -> memref<1x64xi32, #tpu.memory_space<hbm>>
      %dma_start3A_160 = tpu.memref_squeeze %dma_start3A_159 : memref<1x64xi32, #tpu.memory_space<hbm>> -> memref<64xi32, #tpu.memory_space<hbm>>
      tpu.enqueue_dma source(%dma_start3A_160 : memref<64xi32, #tpu.memory_space<hbm>>) target(%dma_start3A_158 : memref<64xi32, #tpu.memory_space<vmem>>) target_semaphore(%run_scoped3A_150 : memref<!tpu.dma_semaphore, #tpu.memory_space<semaphore_mem>>)
      %dma_wait3A_161 = arith.constant 0 : i32
      %dma_wait3A_162 = tpu.memref_slice %arg5[%run_scoped3A_77, %dma_wait3A_161] : memref<2x64xi32, #tpu.memory_space<vmem>> -> memref<1x64xi32, #tpu.memory_space<vmem>>
      %dma_wait3A_163 = tpu.memref_squeeze %dma_wait3A_162 : memref<1x64xi32, #tpu.memory_space<vmem>> -> memref<64xi32, #tpu.memory_space<vmem>>
      %dma_wait3A_164 = tpu.memref_slice %arg2[%select_n3A, %add3A_76] : memref<4x2048xi32, #tpu.memory_space<hbm>> -> memref<1x64xi32, #tpu.memory_space<hbm>>
      %dma_wait3A_165 = tpu.memref_squeeze %dma_wait3A_164 : memref<1x64xi32, #tpu.memory_space<hbm>> -> memref<64xi32, #tpu.memory_space<hbm>>
      %dma_wait3A_166 = arith.constant 0 : i32
      %dma_wait3A_167 = tpu.memref_slice %arg5[%run_scoped3A_77, %dma_wait3A_166] : memref<2x64xi32, #tpu.memory_space<vmem>> -> memref<1x64xi32, #tpu.memory_space<vmem>>
      %dma_wait3A_168 = tpu.memref_squeeze %dma_wait3A_167 : memref<1x64xi32, #tpu.memory_space<vmem>> -> memref<64xi32, #tpu.memory_space<vmem>>
      %dma_wait3A_169 = tpu.memref_slice %arg2[%select_n3A, %add3A_76] : memref<4x2048xi32, #tpu.memory_space<hbm>> -> memref<1x64xi32, #tpu.memory_space<hbm>>
      %dma_wait3A_170 = tpu.memref_squeeze %dma_wait3A_169 : memref<1x64xi32, #tpu.memory_space<hbm>> -> memref<64xi32, #tpu.memory_space<hbm>>
      tpu.wait_dma2 semaphore(%run_scoped3A_150 : memref<!tpu.dma_semaphore, #tpu.memory_space<semaphore_mem>>) src(%dma_wait3A_170 : memref<64xi32, #tpu.memory_space<hbm>>) dst(%dma_wait3A_168 : memref<64xi32, #tpu.memory_space<vmem>>)
      tpu.yield
    }) : () -> ()
    %dma_start3A_78 = arith.constant 0 : i32
    %dma_start3A_79 = arith.constant 0 : i32
    %dma_start3A_80 = arith.constant 0 : i32
    %dma_start3A_81 = arith.constant 0 : i32
    %dma_start3A_82 = tpu.memref_slice %arg6[%dma_start3A_79, %dma_start3A_80, %dma_start3A_81] : memref<2x64x768xf32, #tpu.memory_space<vmem>> -> memref<1x64x768xf32, #tpu.memory_space<vmem>>
    %dma_start3A_83 = tpu.memref_squeeze %dma_start3A_82 : memref<1x64x768xf32, #tpu.memory_space<vmem>> -> memref<64x768xf32, #tpu.memory_space<vmem>>
    %dma_start3A_84 = arith.constant 0 : i32
    %dma_start3A_85 = tpu.memref_slice %arg5[%dma_start3A_78, %dma_start3A_84] : memref<2x64xi32, #tpu.memory_space<vmem>> -> memref<1x64xi32, #tpu.memory_space<vmem>>
    %dma_start3A_86 = tpu.memref_squeeze %dma_start3A_85 : memref<1x64xi32, #tpu.memory_space<vmem>> -> memref<64xi32, #tpu.memory_space<vmem>>
    %dma_start3A_87 = arith.constant 0 : i32
    %dma_start3A_88 = arith.constant 0 : i32
    %dma_start3A_89 = tpu.memref_slice %arg3[%dma_start3A_87, %dma_start3A_88] : memref<30522x768xf32, #tpu.memory_space<hbm>> -> memref<30522x768xf32, #tpu.memory_space<hbm>>
    tpu.enqueue_indirect_dma source(%dma_start3A_89 : memref<30522x768xf32, #tpu.memory_space<hbm>>) target(%dma_start3A_83 : memref<64x768xf32, #tpu.memory_space<vmem>>) offsets(%dma_start3A_86 : memref<64xi32, #tpu.memory_space<vmem>>) semaphore(%arg7 : memref<!tpu.dma_semaphore, #tpu.memory_space<semaphore_mem>>)
    %dma_wait3A_90 = arith.constant 1 : i32
    %dma_wait3A_91 = arith.constant 1 : i32
    %dma_wait3A_92 = arith.constant 0 : i32
    %dma_wait3A_93 = arith.constant 0 : i32
    %dma_wait3A_94 = tpu.memref_slice %arg6[%dma_wait3A_91, %dma_wait3A_92, %dma_wait3A_93] : memref<2x64x768xf32, #tpu.memory_space<vmem>> -> memref<1x64x768xf32, #tpu.memory_space<vmem>>
    %dma_wait3A_95 = tpu.memref_squeeze %dma_wait3A_94 : memref<1x64x768xf32, #tpu.memory_space<vmem>> -> memref<64x768xf32, #tpu.memory_space<vmem>>
    %dma_wait3A_96 = arith.constant 0 : i32
    %dma_wait3A_97 = tpu.memref_slice %arg5[%dma_wait3A_90, %dma_wait3A_96] : memref<2x64xi32, #tpu.memory_space<vmem>> -> memref<1x64xi32, #tpu.memory_space<vmem>>
    %dma_wait3A_98 = tpu.memref_squeeze %dma_wait3A_97 : memref<1x64xi32, #tpu.memory_space<vmem>> -> memref<64xi32, #tpu.memory_space<vmem>>
    %dma_wait3A_99 = arith.constant 0 : i32
    %dma_wait3A_100 = arith.constant 0 : i32
    %dma_wait3A_101 = tpu.memref_slice %arg3[%dma_wait3A_99, %dma_wait3A_100] : memref<30522x768xf32, #tpu.memory_space<hbm>> -> memref<30522x768xf32, #tpu.memory_space<hbm>>
    tpu.wait_indirect_dma semaphore(%arg8 : memref<!tpu.dma_semaphore, #tpu.memory_space<semaphore_mem>>) src(%dma_wait3A_101 : memref<30522x768xf32, #tpu.memory_space<hbm>>) dst(%dma_wait3A_95 : memref<64x768xf32, #tpu.memory_space<vmem>>)
    %add3A_102 = arith.constant 64 : i32
    %add3A_103 = arith.addi %mul3A_34, %add3A_102 : i32
    %run_scoped3A_104 = arith.constant 1 : i32
    "tpu.region"() ({
      %run_scoped3A_150 = tpu.sem_alloc : memref<!tpu.dma_semaphore, #tpu.memory_space<semaphore_mem>>
      %dma_start3A_151 = arith.constant 0 : i32
      %dma_start3A_152 = arith.constant 0 : i32
      %dma_start3A_153 = tpu.memref_slice %arg6[%run_scoped3A_104, %dma_start3A_151, %dma_start3A_152] : memref<2x64x768xf32, #tpu.memory_space<vmem>> -> memref<1x64x768xf32, #tpu.memory_space<vmem>>
      %dma_start3A_154 = tpu.memref_squeeze %dma_start3A_153 : memref<1x64x768xf32, #tpu.memory_space<vmem>> -> memref<64x768xf32, #tpu.memory_space<vmem>>
      %dma_start3A_155 = arith.constant 0 : i32
      %dma_start3A_156 = tpu.memref_slice %arg4[%add3A_103, %dma_start3A_155] : memref<8192x768xf32, #tpu.memory_space<hbm>> -> memref<64x768xf32, #tpu.memory_space<hbm>>
      %dma_start3A_157 = arith.constant 0 : i32
      %dma_start3A_158 = tpu.memref_slice %arg4[%add3A_103, %dma_start3A_157] : memref<8192x768xf32, #tpu.memory_space<hbm>> -> memref<64x768xf32, #tpu.memory_space<hbm>>
      %dma_start3A_159 = arith.constant 0 : i32
      %dma_start3A_160 = arith.constant 0 : i32
      %dma_start3A_161 = tpu.memref_slice %arg6[%run_scoped3A_104, %dma_start3A_159, %dma_start3A_160] : memref<2x64x768xf32, #tpu.memory_space<vmem>> -> memref<1x64x768xf32, #tpu.memory_space<vmem>>
      %dma_start3A_162 = tpu.memref_squeeze %dma_start3A_161 : memref<1x64x768xf32, #tpu.memory_space<vmem>> -> memref<64x768xf32, #tpu.memory_space<vmem>>
      tpu.enqueue_dma source(%dma_start3A_162 : memref<64x768xf32, #tpu.memory_space<vmem>>) target(%dma_start3A_158 : memref<64x768xf32, #tpu.memory_space<hbm>>) target_semaphore(%run_scoped3A_150 : memref<!tpu.dma_semaphore, #tpu.memory_space<semaphore_mem>>)
      %dma_wait3A_163 = arith.constant 0 : i32
      %dma_wait3A_164 = arith.constant 0 : i32
      %dma_wait3A_165 = tpu.memref_slice %arg6[%run_scoped3A_104, %dma_wait3A_163, %dma_wait3A_164] : memref<2x64x768xf32, #tpu.memory_space<vmem>> -> memref<1x64x768xf32, #tpu.memory_space<vmem>>
      %dma_wait3A_166 = tpu.memref_squeeze %dma_wait3A_165 : memref<1x64x768xf32, #tpu.memory_space<vmem>> -> memref<64x768xf32, #tpu.memory_space<vmem>>
      %dma_wait3A_167 = arith.constant 0 : i32
      %dma_wait3A_168 = tpu.memref_slice %arg4[%add3A_103, %dma_wait3A_167] : memref<8192x768xf32, #tpu.memory_space<hbm>> -> memref<64x768xf32, #tpu.memory_space<hbm>>
      %dma_wait3A_169 = arith.constant 0 : i32
      %dma_wait3A_170 = tpu.memref_slice %arg4[%add3A_103, %dma_wait3A_169] : memref<8192x768xf32, #tpu.memory_space<hbm>> -> memref<64x768xf32, #tpu.memory_space<hbm>>
      %dma_wait3A_171 = arith.constant 0 : i32
      %dma_wait3A_172 = arith.constant 0 : i32
      %dma_wait3A_173 = tpu.memref_slice %arg6[%run_scoped3A_104, %dma_wait3A_171, %dma_wait3A_172] : memref<2x64x768xf32, #tpu.memory_space<vmem>> -> memref<1x64x768xf32, #tpu.memory_space<vmem>>
      %dma_wait3A_174 = tpu.memref_squeeze %dma_wait3A_173 : memref<1x64x768xf32, #tpu.memory_space<vmem>> -> memref<64x768xf32, #tpu.memory_space<vmem>>
      tpu.wait_dma2 semaphore(%run_scoped3A_150 : memref<!tpu.dma_semaphore, #tpu.memory_space<semaphore_mem>>) src(%dma_wait3A_174 : memref<64x768xf32, #tpu.memory_space<vmem>>) dst(%dma_wait3A_170 : memref<64x768xf32, #tpu.memory_space<hbm>>)
      tpu.yield
    }) : () -> ()
    %add3A_105 = arith.constant 192 : i32
    %add3A_106 = arith.addi %mul3A_32, %add3A_105 : i32
    %run_scoped3A_107 = arith.constant 1 : i32
    "tpu.region"() ({
      %run_scoped3A_150 = tpu.sem_alloc : memref<!tpu.dma_semaphore, #tpu.memory_space<semaphore_mem>>
      %dma_start3A_151 = arith.constant 0 : i32
      %dma_start3A_152 = tpu.memref_slice %arg5[%run_scoped3A_107, %dma_start3A_151] : memref<2x64xi32, #tpu.memory_space<vmem>> -> memref<1x64xi32, #tpu.memory_space<vmem>>
      %dma_start3A_153 = tpu.memref_squeeze %dma_start3A_152 : memref<1x64xi32, #tpu.memory_space<vmem>> -> memref<64xi32, #tpu.memory_space<vmem>>
      %dma_start3A_154 = tpu.memref_slice %arg2[%select_n3A, %add3A_106] : memref<4x2048xi32, #tpu.memory_space<hbm>> -> memref<1x64xi32, #tpu.memory_space<hbm>>
      %dma_start3A_155 = tpu.memref_squeeze %dma_start3A_154 : memref<1x64xi32, #tpu.memory_space<hbm>> -> memref<64xi32, #tpu.memory_space<hbm>>
      %dma_start3A_156 = arith.constant 0 : i32
      %dma_start3A_157 = tpu.memref_slice %arg5[%run_scoped3A_107, %dma_start3A_156] : memref<2x64xi32, #tpu.memory_space<vmem>> -> memref<1x64xi32, #tpu.memory_space<vmem>>
      %dma_start3A_158 = tpu.memref_squeeze %dma_start3A_157 : memref<1x64xi32, #tpu.memory_space<vmem>> -> memref<64xi32, #tpu.memory_space<vmem>>
      %dma_start3A_159 = tpu.memref_slice %arg2[%select_n3A, %add3A_106] : memref<4x2048xi32, #tpu.memory_space<hbm>> -> memref<1x64xi32, #tpu.memory_space<hbm>>
      %dma_start3A_160 = tpu.memref_squeeze %dma_start3A_159 : memref<1x64xi32, #tpu.memory_space<hbm>> -> memref<64xi32, #tpu.memory_space<hbm>>
      tpu.enqueue_dma source(%dma_start3A_160 : memref<64xi32, #tpu.memory_space<hbm>>) target(%dma_start3A_158 : memref<64xi32, #tpu.memory_space<vmem>>) target_semaphore(%run_scoped3A_150 : memref<!tpu.dma_semaphore, #tpu.memory_space<semaphore_mem>>)
      %dma_wait3A_161 = arith.constant 0 : i32
      %dma_wait3A_162 = tpu.memref_slice %arg5[%run_scoped3A_107, %dma_wait3A_161] : memref<2x64xi32, #tpu.memory_space<vmem>> -> memref<1x64xi32, #tpu.memory_space<vmem>>
      %dma_wait3A_163 = tpu.memref_squeeze %dma_wait3A_162 : memref<1x64xi32, #tpu.memory_space<vmem>> -> memref<64xi32, #tpu.memory_space<vmem>>
      %dma_wait3A_164 = tpu.memref_slice %arg2[%select_n3A, %add3A_106] : memref<4x2048xi32, #tpu.memory_space<hbm>> -> memref<1x64xi32, #tpu.memory_space<hbm>>
      %dma_wait3A_165 = tpu.memref_squeeze %dma_wait3A_164 : memref<1x64xi32, #tpu.memory_space<hbm>> -> memref<64xi32, #tpu.memory_space<hbm>>
      %dma_wait3A_166 = arith.constant 0 : i32
      %dma_wait3A_167 = tpu.memref_slice %arg5[%run_scoped3A_107, %dma_wait3A_166] : memref<2x64xi32, #tpu.memory_space<vmem>> -> memref<1x64xi32, #tpu.memory_space<vmem>>
      %dma_wait3A_168 = tpu.memref_squeeze %dma_wait3A_167 : memref<1x64xi32, #tpu.memory_space<vmem>> -> memref<64xi32, #tpu.memory_space<vmem>>
      %dma_wait3A_169 = tpu.memref_slice %arg2[%select_n3A, %add3A_106] : memref<4x2048xi32, #tpu.memory_space<hbm>> -> memref<1x64xi32, #tpu.memory_space<hbm>>
      %dma_wait3A_170 = tpu.memref_squeeze %dma_wait3A_169 : memref<1x64xi32, #tpu.memory_space<hbm>> -> memref<64xi32, #tpu.memory_space<hbm>>
      tpu.wait_dma2 semaphore(%run_scoped3A_150 : memref<!tpu.dma_semaphore, #tpu.memory_space<semaphore_mem>>) src(%dma_wait3A_170 : memref<64xi32, #tpu.memory_space<hbm>>) dst(%dma_wait3A_168 : memref<64xi32, #tpu.memory_space<vmem>>)
      tpu.yield
    }) : () -> ()
    %dma_start3A_108 = arith.constant 1 : i32
    %dma_start3A_109 = arith.constant 1 : i32
    %dma_start3A_110 = arith.constant 0 : i32
    %dma_start3A_111 = arith.constant 0 : i32
    %dma_start3A_112 = tpu.memref_slice %arg6[%dma_start3A_109, %dma_start3A_110, %dma_start3A_111] : memref<2x64x768xf32, #tpu.memory_space<vmem>> -> memref<1x64x768xf32, #tpu.memory_space<vmem>>
    %dma_start3A_113 = tpu.memref_squeeze %dma_start3A_112 : memref<1x64x768xf32, #tpu.memory_space<vmem>> -> memref<64x768xf32, #tpu.memory_space<vmem>>
    %dma_start3A_114 = arith.constant 0 : i32
    %dma_start3A_115 = tpu.memref_slice %arg5[%dma_start3A_108, %dma_start3A_114] : memref<2x64xi32, #tpu.memory_space<vmem>> -> memref<1x64xi32, #tpu.memory_space<vmem>>
    %dma_start3A_116 = tpu.memref_squeeze %dma_start3A_115 : memref<1x64xi32, #tpu.memory_space<vmem>> -> memref<64xi32, #tpu.memory_space<vmem>>
    %dma_start3A_117 = arith.constant 0 : i32
    %dma_start3A_118 = arith.constant 0 : i32
    %dma_start3A_119 = tpu.memref_slice %arg3[%dma_start3A_117, %dma_start3A_118] : memref<30522x768xf32, #tpu.memory_space<hbm>> -> memref<30522x768xf32, #tpu.memory_space<hbm>>
    tpu.enqueue_indirect_dma source(%dma_start3A_119 : memref<30522x768xf32, #tpu.memory_space<hbm>>) target(%dma_start3A_113 : memref<64x768xf32, #tpu.memory_space<vmem>>) offsets(%dma_start3A_116 : memref<64xi32, #tpu.memory_space<vmem>>) semaphore(%arg8 : memref<!tpu.dma_semaphore, #tpu.memory_space<semaphore_mem>>)
    %dma_wait3A_120 = arith.constant 0 : i32
    %dma_wait3A_121 = arith.constant 0 : i32
    %dma_wait3A_122 = arith.constant 0 : i32
    %dma_wait3A_123 = arith.constant 0 : i32
    %dma_wait3A_124 = tpu.memref_slice %arg6[%dma_wait3A_121, %dma_wait3A_122, %dma_wait3A_123] : memref<2x64x768xf32, #tpu.memory_space<vmem>> -> memref<1x64x768xf32, #tpu.memory_space<vmem>>
    %dma_wait3A_125 = tpu.memref_squeeze %dma_wait3A_124 : memref<1x64x768xf32, #tpu.memory_space<vmem>> -> memref<64x768xf32, #tpu.memory_space<vmem>>
    %dma_wait3A_126 = arith.constant 0 : i32
    %dma_wait3A_127 = tpu.memref_slice %arg5[%dma_wait3A_120, %dma_wait3A_126] : memref<2x64xi32, #tpu.memory_space<vmem>> -> memref<1x64xi32, #tpu.memory_space<vmem>>
    %dma_wait3A_128 = tpu.memref_squeeze %dma_wait3A_127 : memref<1x64xi32, #tpu.memory_space<vmem>> -> memref<64xi32, #tpu.memory_space<vmem>>
    %dma_wait3A_129 = arith.constant 0 : i32
    %dma_wait3A_130 = arith.constant 0 : i32
    %dma_wait3A_131 = tpu.memref_slice %arg3[%dma_wait3A_129, %dma_wait3A_130] : memref<30522x768xf32, #tpu.memory_space<hbm>> -> memref<30522x768xf32, #tpu.memory_space<hbm>>
    tpu.wait_indirect_dma semaphore(%arg7 : memref<!tpu.dma_semaphore, #tpu.memory_space<semaphore_mem>>) src(%dma_wait3A_131 : memref<30522x768xf32, #tpu.memory_space<hbm>>) dst(%dma_wait3A_125 : memref<64x768xf32, #tpu.memory_space<vmem>>)
    %add3A_132 = arith.constant 128 : i32
    %add3A_133 = arith.addi %mul3A_34, %add3A_132 : i32
    %run_scoped3A_134 = arith.constant 0 : i32
    "tpu.region"() ({
      %run_scoped3A_150 = tpu.sem_alloc : memref<!tpu.dma_semaphore, #tpu.memory_space<semaphore_mem>>
      %dma_start3A_151 = arith.constant 0 : i32
      %dma_start3A_152 = arith.constant 0 : i32
      %dma_start3A_153 = tpu.memref_slice %arg6[%run_scoped3A_134, %dma_start3A_151, %dma_start3A_152] : memref<2x64x768xf32, #tpu.memory_space<vmem>> -> memref<1x64x768xf32, #tpu.memory_space<vmem>>
      %dma_start3A_154 = tpu.memref_squeeze %dma_start3A_153 : memref<1x64x768xf32, #tpu.memory_space<vmem>> -> memref<64x768xf32, #tpu.memory_space<vmem>>
      %dma_start3A_155 = arith.constant 0 : i32
      %dma_start3A_156 = tpu.memref_slice %arg4[%add3A_133, %dma_start3A_155] : memref<8192x768xf32, #tpu.memory_space<hbm>> -> memref<64x768xf32, #tpu.memory_space<hbm>>
      %dma_start3A_157 = arith.constant 0 : i32
      %dma_start3A_158 = tpu.memref_slice %arg4[%add3A_133, %dma_start3A_157] : memref<8192x768xf32, #tpu.memory_space<hbm>> -> memref<64x768xf32, #tpu.memory_space<hbm>>
      %dma_start3A_159 = arith.constant 0 : i32
      %dma_start3A_160 = arith.constant 0 : i32
      %dma_start3A_161 = tpu.memref_slice %arg6[%run_scoped3A_134, %dma_start3A_159, %dma_start3A_160] : memref<2x64x768xf32, #tpu.memory_space<vmem>> -> memref<1x64x768xf32, #tpu.memory_space<vmem>>
      %dma_start3A_162 = tpu.memref_squeeze %dma_start3A_161 : memref<1x64x768xf32, #tpu.memory_space<vmem>> -> memref<64x768xf32, #tpu.memory_space<vmem>>
      tpu.enqueue_dma source(%dma_start3A_162 : memref<64x768xf32, #tpu.memory_space<vmem>>) target(%dma_start3A_158 : memref<64x768xf32, #tpu.memory_space<hbm>>) target_semaphore(%run_scoped3A_150 : memref<!tpu.dma_semaphore, #tpu.memory_space<semaphore_mem>>)
      %dma_wait3A_163 = arith.constant 0 : i32
      %dma_wait3A_164 = arith.constant 0 : i32
      %dma_wait3A_165 = tpu.memref_slice %arg6[%run_scoped3A_134, %dma_wait3A_163, %dma_wait3A_164] : memref<2x64x768xf32, #tpu.memory_space<vmem>> -> memref<1x64x768xf32, #tpu.memory_space<vmem>>
      %dma_wait3A_166 = tpu.memref_squeeze %dma_wait3A_165 : memref<1x64x768xf32, #tpu.memory_space<vmem>> -> memref<64x768xf32, #tpu.memory_space<vmem>>
      %dma_wait3A_167 = arith.constant 0 : i32
      %dma_wait3A_168 = tpu.memref_slice %arg4[%add3A_133, %dma_wait3A_167] : memref<8192x768xf32, #tpu.memory_space<hbm>> -> memref<64x768xf32, #tpu.memory_space<hbm>>
      %dma_wait3A_169 = arith.constant 0 : i32
      %dma_wait3A_170 = tpu.memref_slice %arg4[%add3A_133, %dma_wait3A_169] : memref<8192x768xf32, #tpu.memory_space<hbm>> -> memref<64x768xf32, #tpu.memory_space<hbm>>
      %dma_wait3A_171 = arith.constant 0 : i32
      %dma_wait3A_172 = arith.constant 0 : i32
      %dma_wait3A_173 = tpu.memref_slice %arg6[%run_scoped3A_134, %dma_wait3A_171, %dma_wait3A_172] : memref<2x64x768xf32, #tpu.memory_space<vmem>> -> memref<1x64x768xf32, #tpu.memory_space<vmem>>
      %dma_wait3A_174 = tpu.memref_squeeze %dma_wait3A_173 : memref<1x64x768xf32, #tpu.memory_space<vmem>> -> memref<64x768xf32, #tpu.memory_space<vmem>>
      tpu.wait_dma2 semaphore(%run_scoped3A_150 : memref<!tpu.dma_semaphore, #tpu.memory_space<semaphore_mem>>) src(%dma_wait3A_174 : memref<64x768xf32, #tpu.memory_space<vmem>>) dst(%dma_wait3A_170 : memref<64x768xf32, #tpu.memory_space<hbm>>)
      tpu.yield
    }) : () -> ()
    %dma_wait3A_135 = arith.constant 1 : i32
    %dma_wait3A_136 = arith.constant 1 : i32
    %dma_wait3A_137 = arith.constant 0 : i32
    %dma_wait3A_138 = arith.constant 0 : i32
    %dma_wait3A_139 = tpu.memref_slice %arg6[%dma_wait3A_136, %dma_wait3A_137, %dma_wait3A_138] : memref<2x64x768xf32, #tpu.memory_space<vmem>> -> memref<1x64x768xf32, #tpu.memory_space<vmem>>
    %dma_wait3A_140 = tpu.memref_squeeze %dma_wait3A_139 : memref<1x64x768xf32, #tpu.memory_space<vmem>> -> memref<64x768xf32, #tpu.memory_space<vmem>>
    %dma_wait3A_141 = arith.constant 0 : i32
    %dma_wait3A_142 = tpu.memref_slice %arg5[%dma_wait3A_135, %dma_wait3A_141] : memref<2x64xi32, #tpu.memory_space<vmem>> -> memref<1x64xi32, #tpu.memory_space<vmem>>
    %dma_wait3A_143 = tpu.memref_squeeze %dma_wait3A_142 : memref<1x64xi32, #tpu.memory_space<vmem>> -> memref<64xi32, #tpu.memory_space<vmem>>
    %dma_wait3A_144 = arith.constant 0 : i32
    %dma_wait3A_145 = arith.constant 0 : i32
    %dma_wait3A_146 = tpu.memref_slice %arg3[%dma_wait3A_144, %dma_wait3A_145] : memref<30522x768xf32, #tpu.memory_space<hbm>> -> memref<30522x768xf32, #tpu.memory_space<hbm>>
    tpu.wait_indirect_dma semaphore(%arg8 : memref<!tpu.dma_semaphore, #tpu.memory_space<semaphore_mem>>) src(%dma_wait3A_146 : memref<30522x768xf32, #tpu.memory_space<hbm>>) dst(%dma_wait3A_140 : memref<64x768xf32, #tpu.memory_space<vmem>>)
    %add3A_147 = arith.constant 192 : i32
    %add3A_148 = arith.addi %mul3A_34, %add3A_147 : i32
    %run_scoped3A_149 = arith.constant 1 : i32
    "tpu.region"() ({
      %run_scoped3A_150 = tpu.sem_alloc : memref<!tpu.dma_semaphore, #tpu.memory_space<semaphore_mem>>
      %dma_start3A_151 = arith.constant 0 : i32
      %dma_start3A_152 = arith.constant 0 : i32
      %dma_start3A_153 = tpu.memref_slice %arg6[%run_scoped3A_149, %dma_start3A_151, %dma_start3A_152] : memref<2x64x768xf32, #tpu.memory_space<vmem>> -> memref<1x64x768xf32, #tpu.memory_space<vmem>>
      %dma_start3A_154 = tpu.memref_squeeze %dma_start3A_153 : memref<1x64x768xf32, #tpu.memory_space<vmem>> -> memref<64x768xf32, #tpu.memory_space<vmem>>
      %dma_start3A_155 = arith.constant 0 : i32
      %dma_start3A_156 = tpu.memref_slice %arg4[%add3A_148, %dma_start3A_155] : memref<8192x768xf32, #tpu.memory_space<hbm>> -> memref<64x768xf32, #tpu.memory_space<hbm>>
      %dma_start3A_157 = arith.constant 0 : i32
      %dma_start3A_158 = tpu.memref_slice %arg4[%add3A_148, %dma_start3A_157] : memref<8192x768xf32, #tpu.memory_space<hbm>> -> memref<64x768xf32, #tpu.memory_space<hbm>>
      %dma_start3A_159 = arith.constant 0 : i32
      %dma_start3A_160 = arith.constant 0 : i32
      %dma_start3A_161 = tpu.memref_slice %arg6[%run_scoped3A_149, %dma_start3A_159, %dma_start3A_160] : memref<2x64x768xf32, #tpu.memory_space<vmem>> -> memref<1x64x768xf32, #tpu.memory_space<vmem>>
      %dma_start3A_162 = tpu.memref_squeeze %dma_start3A_161 : memref<1x64x768xf32, #tpu.memory_space<vmem>> -> memref<64x768xf32, #tpu.memory_space<vmem>>
      tpu.enqueue_dma source(%dma_start3A_162 : memref<64x768xf32, #tpu.memory_space<vmem>>) target(%dma_start3A_158 : memref<64x768xf32, #tpu.memory_space<hbm>>) target_semaphore(%run_scoped3A_150 : memref<!tpu.dma_semaphore, #tpu.memory_space<semaphore_mem>>)
      %dma_wait3A_163 = arith.constant 0 : i32
      %dma_wait3A_164 = arith.constant 0 : i32
      %dma_wait3A_165 = tpu.memref_slice %arg6[%run_scoped3A_149, %dma_wait3A_163, %dma_wait3A_164] : memref<2x64x768xf32, #tpu.memory_space<vmem>> -> memref<1x64x768xf32, #tpu.memory_space<vmem>>
      %dma_wait3A_166 = tpu.memref_squeeze %dma_wait3A_165 : memref<1x64x768xf32, #tpu.memory_space<vmem>> -> memref<64x768xf32, #tpu.memory_space<vmem>>
      %dma_wait3A_167 = arith.constant 0 : i32
      %dma_wait3A_168 = tpu.memref_slice %arg4[%add3A_148, %dma_wait3A_167] : memref<8192x768xf32, #tpu.memory_space<hbm>> -> memref<64x768xf32, #tpu.memory_space<hbm>>
      %dma_wait3A_169 = arith.constant 0 : i32
      %dma_wait3A_170 = tpu.memref_slice %arg4[%add3A_148, %dma_wait3A_169] : memref<8192x768xf32, #tpu.memory_space<hbm>> -> memref<64x768xf32, #tpu.memory_space<hbm>>
      %dma_wait3A_171 = arith.constant 0 : i32
      %dma_wait3A_172 = arith.constant 0 : i32
      %dma_wait3A_173 = tpu.memref_slice %arg6[%run_scoped3A_149, %dma_wait3A_171, %dma_wait3A_172] : memref<2x64x768xf32, #tpu.memory_space<vmem>> -> memref<1x64x768xf32, #tpu.memory_space<vmem>>
      %dma_wait3A_174 = tpu.memref_squeeze %dma_wait3A_173 : memref<1x64x768xf32, #tpu.memory_space<vmem>> -> memref<64x768xf32, #tpu.memory_space<vmem>>
      tpu.wait_dma2 semaphore(%run_scoped3A_150 : memref<!tpu.dma_semaphore, #tpu.memory_space<semaphore_mem>>) src(%dma_wait3A_174 : memref<64x768xf32, #tpu.memory_space<vmem>>) dst(%dma_wait3A_170 : memref<64x768xf32, #tpu.memory_space<hbm>>)
      tpu.yield
    }) : () -> ()
    return
  }
}

module attributes {stable_mosaic.version = 14 : i64} {
  func.func @_tc_ln_body(%arg0: i32, %arg1: i32, %arg2: memref<2048x768xf32, #tpu.memory_space<vmem>>, %arg3: memref<2048x1xi32, #tpu.memory_space<vmem>>, %arg4: memref<2048x768xf32, #tpu.memory_space<vmem>>, %arg5: memref<2x768xf32, #tpu.memory_space<vmem>>, %arg6: memref<1x768xf32, #tpu.memory_space<vmem>>, %arg7: memref<1x768xf32, #tpu.memory_space<vmem>>, %arg8: memref<2048x768xf32, #tpu.memory_space<vmem>>) attributes {dimension_semantics = [#tpu.dimension_semantics<arbitrary>, #tpu.dimension_semantics<arbitrary>], iteration_bounds = array<i64: 1, 4>, scalar_prefetch = 0 : i64, scratch_operands = 0 : i64, tpu.core_type = #tpu.core_type<tc>, window_params = [{transform_indices = @transform_0, window_bounds = array<i64: 2048, 768>}, {transform_indices = @transform_1, window_bounds = array<i64: 2048, 1>}, {transform_indices = @transform_2, window_bounds = array<i64: 2048, 768>}, {pipeline_mode = #tpu.pipeline_mode<synchronous>, transform_indices = @transform_3, window_bounds = array<i64: 2, 768>}, {pipeline_mode = #tpu.pipeline_mode<synchronous>, transform_indices = @transform_4, window_bounds = array<i64: 1, 768>}, {pipeline_mode = #tpu.pipeline_mode<synchronous>, transform_indices = @transform_5, window_bounds = array<i64: 1, 768>}, {transform_indices = @transform_6, window_bounds = array<i64: 2048, 768>}]} {
    %get3A = arith.constant 0 : index
    %get3A_0 = arith.constant 0 : index
    %get3A_1 = vector.load %arg5[%get3A, %get3A_0] : memref<2x768xf32, #tpu.memory_space<vmem>>, vector<1x768xf32>
    %get3A_2 = arith.constant 1 : index
    %get3A_3 = arith.constant 0 : index
    %get3A_4 = vector.load %arg5[%get3A_2, %get3A_3] : memref<2x768xf32, #tpu.memory_space<vmem>>, vector<1x768xf32>
    %get3A_5 = arith.constant 0 : index
    %get3A_6 = arith.constant 0 : index
    %get3A_7 = vector.load %arg3[%get3A_5, %get3A_6] : memref<2048x1xi32, #tpu.memory_space<vmem>>, vector<2048x1xi32>
    %convert_element_type3A = arith.sitofp %get3A_7 : vector<2048x1xi32> to vector<2048x1xf32>
    %get3A_8 = arith.constant 0 : index
    %get3A_9 = arith.constant 0 : index
    %get3A_10 = vector.load %arg2[%get3A_8, %get3A_9] : memref<2048x768xf32, #tpu.memory_space<vmem>>, vector<2048x768xf32>
    %get3A_11 = arith.constant 0 : index
    %get3A_12 = arith.constant 0 : index
    %get3A_13 = vector.load %arg4[%get3A_11, %get3A_12] : memref<2048x768xf32, #tpu.memory_space<vmem>>, vector<2048x768xf32>
    %add3A = arith.addf %get3A_10, %get3A_13 : vector<2048x768xf32>
    %add3A_14 = vector.broadcast %get3A_1 : vector<1x768xf32> to vector<2048x768xf32>
    %add3A_15 = arith.addf %add3A, %add3A_14 : vector<2048x768xf32>
    %sub3A = arith.subf %get3A_4, %get3A_1 : vector<1x768xf32>
    %mul3A = vector.broadcast %convert_element_type3A : vector<2048x1xf32> to vector<2048x768xf32>
    %mul3A_16 = vector.broadcast %sub3A : vector<1x768xf32> to vector<2048x768xf32>
    %mul3A_17 = arith.mulf %mul3A, %mul3A_16 : vector<2048x768xf32>
    %add3A_18 = arith.addf %add3A_15, %mul3A_17 : vector<2048x768xf32>
    %reduce_sum3A = arith.constant dense<0.000000e+00> : vector<2048xf32>
    %reduce_sum3A_19 = vector.multi_reduction <add>, %add3A_18, %reduce_sum3A [1] : vector<2048x768xf32> to vector<2048xf32>
    %broadcast_in_dim3A = vector.shape_cast %reduce_sum3A_19 : vector<2048xf32> to vector<2048x1xf32>
    %div3A = arith.constant 7.680000e+02 : f32
    %div3A_20 = vector.broadcast %div3A : f32 to vector<2048x1xf32>
    %div3A_21 = arith.divf %broadcast_in_dim3A, %div3A_20 : vector<2048x1xf32>
    %mul3A_22 = arith.mulf %add3A_18, %add3A_18 : vector<2048x768xf32>
    %reduce_sum3A_23 = arith.constant dense<0.000000e+00> : vector<2048xf32>
    %reduce_sum3A_24 = vector.multi_reduction <add>, %mul3A_22, %reduce_sum3A_23 [1] : vector<2048x768xf32> to vector<2048xf32>
    %broadcast_in_dim3A_25 = vector.shape_cast %reduce_sum3A_24 : vector<2048xf32> to vector<2048x1xf32>
    %div3A_26 = arith.constant 7.680000e+02 : f32
    %div3A_27 = vector.broadcast %div3A_26 : f32 to vector<2048x1xf32>
    %div3A_28 = arith.divf %broadcast_in_dim3A_25, %div3A_27 : vector<2048x1xf32>
    %mul3A_29 = arith.mulf %div3A_21, %div3A_21 : vector<2048x1xf32>
    %sub3A_30 = arith.subf %div3A_28, %mul3A_29 : vector<2048x1xf32>
    %add3A_31 = arith.constant 9.99999996E-13 : f32
    %add3A_32 = vector.broadcast %add3A_31 : f32 to vector<2048x1xf32>
    %add3A_33 = arith.addf %sub3A_30, %add3A_32 : vector<2048x1xf32>
    %rsqrt3A = math.rsqrt %add3A_33 : vector<2048x1xf32>
    %sub3A_34 = vector.broadcast %div3A_21 : vector<2048x1xf32> to vector<2048x768xf32>
    %sub3A_35 = arith.subf %add3A_18, %sub3A_34 : vector<2048x768xf32>
    %get3A_36 = arith.constant 0 : index
    %get3A_37 = arith.constant 0 : index
    %get3A_38 = vector.load %arg6[%get3A_36, %get3A_37] : memref<1x768xf32, #tpu.memory_space<vmem>>, vector<1x768xf32>
    %mul3A_39 = vector.broadcast %rsqrt3A : vector<2048x1xf32> to vector<2048x768xf32>
    %mul3A_40 = vector.broadcast %get3A_38 : vector<1x768xf32> to vector<2048x768xf32>
    %mul3A_41 = arith.mulf %mul3A_39, %mul3A_40 : vector<2048x768xf32>
    %mul3A_42 = arith.mulf %sub3A_35, %mul3A_41 : vector<2048x768xf32>
    %get3A_43 = arith.constant 0 : index
    %get3A_44 = arith.constant 0 : index
    %get3A_45 = vector.load %arg7[%get3A_43, %get3A_44] : memref<1x768xf32, #tpu.memory_space<vmem>>, vector<1x768xf32>
    %add3A_46 = vector.broadcast %get3A_45 : vector<1x768xf32> to vector<2048x768xf32>
    %add3A_47 = arith.addf %mul3A_42, %add3A_46 : vector<2048x768xf32>
    %swap3A = arith.constant 0 : index
    %swap3A_48 = arith.constant 0 : index
    %swap3A_49 = vector.load %arg8[%swap3A, %swap3A_48] : memref<2048x768xf32, #tpu.memory_space<vmem>>, vector<2048x768xf32>
    tpu.vector_store %arg8[%swap3A, %swap3A_48], %add3A_47 {strides = array<i32>} : memref<2048x768xf32, #tpu.memory_space<vmem>>, vector<2048x768xf32>,
    return
  }
  func.func @transform_0(%arg0: i32, %arg1: i32) -> (i32, i32) {
    %mul3A = arith.constant 1 : i32
    %mul3A_0 = arith.muli %arg1, %mul3A : i32
    %add3A = arith.addi %mul3A_0, %arg0 : i32
    %c0_i32 = arith.constant 0 : i32
    %c0_i32_1 = arith.constant 0 : i32
    return %add3A, %c0_i32 : i32, i32
  }
  func.func @transform_1(%arg0: i32, %arg1: i32) -> (i32, i32) {
    %mul3A = arith.constant 1 : i32
    %mul3A_0 = arith.muli %arg1, %mul3A : i32
    %add3A = arith.addi %mul3A_0, %arg0 : i32
    %c0_i32 = arith.constant 0 : i32
    %c0_i32_1 = arith.constant 0 : i32
    return %add3A, %c0_i32 : i32, i32
  }
  func.func @transform_2(%arg0: i32, %arg1: i32) -> (i32, i32) {
    %c0_i32 = arith.constant 0 : i32
    %c0_i32_0 = arith.constant 0 : i32
    return %arg0, %c0_i32 : i32, i32
  }
  func.func @transform_3(%arg0: i32, %arg1: i32) -> (i32, i32) {
    %c0_i32 = arith.constant 0 : i32
    %c0_i32_0 = arith.constant 0 : i32
    %c0_i32_1 = arith.constant 0 : i32
    return %c0_i32, %c0_i32_0 : i32, i32
  }
  func.func @transform_4(%arg0: i32, %arg1: i32) -> (i32, i32) {
    %c0_i32 = arith.constant 0 : i32
    %c0_i32_0 = arith.constant 0 : i32
    %c0_i32_1 = arith.constant 0 : i32
    return %c0_i32, %c0_i32_0 : i32, i32
  }
  func.func @transform_5(%arg0: i32, %arg1: i32) -> (i32, i32) {
    %c0_i32 = arith.constant 0 : i32
    %c0_i32_0 = arith.constant 0 : i32
    %c0_i32_1 = arith.constant 0 : i32
    return %c0_i32, %c0_i32_0 : i32, i32
  }
  func.func @transform_6(%arg0: i32, %arg1: i32) -> (i32, i32) {
    %mul3A = arith.constant 1 : i32
    %mul3A_0 = arith.muli %arg1, %mul3A : i32
    %add3A = arith.addi %mul3A_0, %arg0 : i32
    %c0_i32 = arith.constant 0 : i32
    %c0_i32_1 = arith.constant 0 : i32
    return %add3A, %c0_i32 : i32, i32
  }
}

</mosaic_0001>

<sc_bundles>
// kernel: kernel.4.cloned.1.call-start
scs
__scs_entry_jumppad:
0x0: {  	(pc) =	sbr.rel $0x88, $3  }
0x1: {  	(tag) =	ssettag $0x0;
	lr =	simm.s32 $0x1  }
0x2: {  	[smem:$0x3F9A] =	sst lr;
	_ =	strace $0xD0000000  }
0x3: {  	_ = 	snop  }
0x4: {  	_ = 	snop  }
0x5: {  	_ = 	snop  }
0x6: {  	_ = 	snop  }
0x7: {  	_ = 	snop  }
__scs_overlays_trampoline_lowered:
0x8: {  	[smem:$0x3FA9] =	sst s0  }
0x9: {  	[smem:$0x3FAA] =	sst s1  }
0xa: {  	[smem:$0x3FAB] =	sst s2  }
0xb: {  	[smem:$0x3FAC] =	sst s3  }
0xc: {  	[smem:$0x3FAD] =	sst s4  }
0xd: {  	[smem:$0x3FAE] =	sst s5  }
0xe: {  	[smem:$0x3FAF] =	sst s6  }
0xf: {  	[smem:$0x3FB0] =	sst s7  }
0x10: {  	[smem:$0x3FB1] =	sst s8  }
0x11: {  	[smem:$0x3FB2] =	sst s9;
	s0 =	simm.s32 @!p0 $0x0  }
0x12: {  	s1 =	sld [smem:$0x3F98];
	s0 =	simm.s32 @p0 $0x1  }
0x13: {  	[smem:$0x3FB3] =	sst s0;
	s0 =	simm.s32 @!p1 $0x0  }
0x14: {  	s2 =	sld [smem:$0x3F97];
	s0 =	simm.s32 @p1 $0x1  }
0x15: {  	[smem:$0x3FB4] =	sst s0;
	s0 =	simm.s32 @!p2 $0x0  }
0x16: {  	s3 =	sld [smem:$0x3FDB];
	s0 =	simm.s32 @p2 $0x1  }
0x17: {  	s4 =	simm.s32 $0x1BF5;
	[smem:$0x3FB6] =	sst s0  }
0x18: {  	s0 =	sld [smem:$0x3F99];
	_ =	swait.ge [sflag:s4], $0x0  }
0x19: {  	s7 =	sld [smem:$0x3F9A]  }
0x1a: {  	s8 =	sadd.s32 $0xFFFFE003, lr  }
0x1b: {  	s9 =	sadd.s32 $0xFFFFFEF7, lr;
	s5 =	simm.s32 $0xFFFFFFFF;
	p2 =	slt.u32 s8, $0xFFFFF086  }
0x1c: {  	p1 =	slt.u32 s9, $0xF7A;
	s5 =	simm.s32 @!p2 $0x0  }
0x1d: {  	s5 =	simm.s32 @p1 $0x1;
	p0 =	seq.s32 s7, s2  }
0x1e: {  	s7 =	smul.u32 @!p0 $0xF7A, s2;
	p2 =	seq.s32 @!p0 s5, $0x0  }
0x1f: {  	s9 =	smul.u32 $0xF7A, s1;
	s8 =	simm.s32 @!p0 $0x1BF5;
	p2 =	por !p2, p0  }
0x20: {  	[sflag:s8] =	ssyncset.s32 @!p0 $0xFFFFF086;
	s6 =	sadd.s32 @!p0 s3, s7;
	s7 =	simm.s32 @!p0 $0x108  }
0x21: {  	s3 =	sadd.s32 s3, s9;
	s6 =	sadd.s32 @!p0 $0x88, s6;
	s7 =	simm.s32 @p2 $0x1082  }
0x22: {  	[simem:s7], [sflag:s8] =	dma.local @!p0 [hbm:s6], $0xF7A  }
0x23: {  	s9 =	sor.u32 $0xD0000000, s2;
	s6 =	simm.s32 $0x108;
	_ =	swait.ge @!p0 [sflag:s8], $0x0  }
0x24: {  	s3 =	sadd.s32 $0x88, s3;
	s6 =	simm.s32 @!p1 $0x1082;
	[sflag:s4] =	ssyncset.s32 $0xFFFFF086  }
0x25: {  	[simem:s6], [sflag:s4] =	dma.local [hbm:s3], $0xF7A  }
0x26: {  	[smem:$0x3F9A] =	sst s1;
	(tag) =	ssettag s2;
	_ =	strace s9  }
0x27: {  	s1 =	sld [smem:$0x3FAA]  }
0x28: {  	s2 =	sld [smem:$0x3FAB]  }
0x29: {  	s4 =	sld [smem:$0x3FAD]  }
0x2a: {  	p0 =	seq.s32 s5, $0x0;
	s5 =	sld [smem:$0x3FAE]  }
0x2b: {  	s6 =	sld [smem:$0x3FAF]  }
0x2c: {  	s7 =	sld [smem:$0x3FB0]  }
0x2d: {  	s3 =	simm.s32 $0x108;
	s8 =	sld [smem:$0x3FB1]  }
0x2e: {  	s3 =	simm.s32 @!p0 $0x1082;
	s9 =	sld [smem:$0x3FB2]  }
0x2f: {  	lr =	sadd.s32 s0, s3;
	s0 =	sld [smem:$0x3FA9]  }
0x30: {  	s3 =	sld [smem:$0x3FAC]  }
0x31: {  	[smem:$0x3FB5] =	sst s10  }
0x32: {  	s10 =	sld [smem:$0x3FB3];
	_ =	sdelay $0x3  }
0x33: {  	p0 =	seq.s32 s10, $0x1;
	s10 =	sld [smem:$0x3FB5];
	_ =	sdelay $0x3  }
0x34: {  	[smem:$0x3FB5] =	sst s10  }
0x35: {  	s10 =	sld [smem:$0x3FB4];
	_ =	sdelay $0x3  }
0x36: {  	p1 =	seq.s32 s10, $0x1;
	s10 =	sld [smem:$0x3FB5];
	_ =	sdelay $0x3  }
0x37: {  	[smem:$0x3FB5] =	sst s10  }
0x38: {  	s10 =	sld [smem:$0x3FB6]  }
0x39: {  	_ = 	snop;
	(pc) =	sbr.ind lr, $3  }
0x3a: {  	_ = 	snop  }
0x3b: {  	_ = 	snop  }
0x3c: {  	p2 =	seq.s32 s10, $0x1;
	s10 =	sld [smem:$0x3FB5]  }
0x3d: {  	_ =	shalt  }
0x3e: {  	_ =	shalt  }
0x3f: {  	_ =	shalt  }
0x40: {  	_ =	shalt  }
0x41: {  	_ =	shalt  }
0x42: {  	_ =	shalt  }
0x43: {  	_ =	shalt  }
0x44: {  	_ =	shalt  }
0x45: {  	_ =	shalt  }
0x46: {  	_ =	shalt  }
0x47: {  	_ =	shalt  }
0x48: {  	_ =	shalt  }
0x49: {  	_ =	shalt  }
0x4a: {  	_ =	shalt  }
0x4b: {  	_ =	shalt  }
0x4c: {  	_ =	shalt  }
0x4d: {  	_ =	shalt  }
0x4e: {  	_ =	shalt  }
0x4f: {  	_ =	shalt  }
0x50: {  	_ =	shalt  }
0x51: {  	_ =	shalt  }
0x52: {  	_ =	shalt  }
0x53: {  	_ =	shalt  }
0x54: {  	_ =	shalt  }
0x55: {  	_ =	shalt  }
0x56: {  	_ =	shalt  }
0x57: {  	_ =	shalt  }
0x58: {  	_ =	shalt  }
0x59: {  	_ =	shalt  }
0x5a: {  	_ =	shalt  }
0x5b: {  	_ =	shalt  }
0x5c: {  	_ =	shalt  }
0x5d: {  	_ =	shalt  }
0x5e: {  	_ =	shalt  }
0x5f: {  	_ =	shalt  }
0x60: {  	_ =	shalt  }
0x61: {  	_ =	shalt  }
0x62: {  	_ =	shalt  }
0x63: {  	_ =	shalt  }
0x64: {  	_ =	shalt  }
0x65: {  	_ =	shalt  }
0x66: {  	_ =	shalt  }
0x67: {  	_ =	shalt  }
0x68: {  	_ =	shalt  }
0x69: {  	_ =	shalt  }
0x6a: {  	_ =	shalt  }
0x6b: {  	_ =	shalt  }
0x6c: {  	_ =	shalt  }
0x6d: {  	_ =	shalt  }
0x6e: {  	_ =	shalt  }
0x6f: {  	_ =	shalt  }
0x70: {  	_ =	shalt  }
0x71: {  	_ =	shalt  }
0x72: {  	_ =	shalt  }
0x73: {  	_ =	shalt  }
0x74: {  	_ =	shalt  }
0x75: {  	_ =	shalt  }
0x76: {  	_ =	shalt  }
0x77: {  	_ =	shalt  }
0x78: {  	_ =	shalt  }
0x79: {  	_ =	shalt  }
0x7a: {  	_ =	shalt  }
0x7b: {  	_ =	shalt  }
0x7c: {  	_ =	shalt  }
0x7d: {  	_ =	shalt  }
0x7e: {  	_ =	shalt  }
0x7f: {  	_ =	shalt  }
0x80: {  	_ =	shalt  }
0x81: {  	_ =	shalt  }
0x82: {  	_ =	shalt  }
0x83: {  	_ =	shalt  }
0x84: {  	_ =	shalt  }
0x85: {  	_ =	shalt  }
0x86: {  	_ =	shalt  }
0x87: {  	_ =	shalt  }
.Lfunc_end0:
.L_simem_size_0:
called_computation_lowered:
.L_overlay_start_0:
0x88: {  	s2 =	sld [smem:$0x3FD9]  }
0x89: {  	s3 =	sld [smem:$0x3FFE];
	_ =	sdelay $0x1  }
0x8a: {  	s1 =	srdreg.scid  }
0x8b: {  	s0 =	sand.u32 $0x1, s1  }
0x8c: {  	s17 =	sshll.u32 s0, $0xA;
	s2 =	sadd.s32 s3, s2  }
0x8d: {  	s2 =	sadd.s32 s2, s17  }
0x8e: {  	[smem:$0x3FC1] =	sst s2  }
0x8f: {  	_ = 	snop  }
0x90: {  	s2 =	sld [smem:$0x3FC9]  }
0x91: {  	s18 =	sld [smem:$0x3FC7];
	(tm) =	ssettm $0x1  }
0x92: {  	s4 =	sld [smem:$0x3FFB];
	_ =	sdelay $0x3  }
0x93: {  	_ =	strace s4  }
0x94: {  	s4 =	sld [smem:$0x3FFC];
	_ =	sdelay $0x3  }
0x95: {  	_ =	strace s4  }
0x96: {  	s4 =	sld [smem:$0x3FFD];
	_ =	sdelay $0x3  }
0x97: {  	_ =	strace s4  }
0x98: {  	_ =	strace $0x8FFFFFFF  }
0x99: {  	s19 =	sld [smem:$0x3FDB];
	_ =	sdelay $0x1  }
0x9a: {  	s5 =	simm.s32 $_scs_section_size  }
0x9b: {  	s6 =	simm.s32 $_size__tile_overlayer_lowered;
	s7 =	simm.s32 $_tile_overlayer_lowered  }
0x9c: {  	s22 =	simm.s32 $0x1BFF;
	s21 =	sshll.u32 s7, $0x1;
	s4 =	sadd.s32 s5, s19  }
0x9d: {  	s8 =	simm.s32 $0x0;
	s20 =	sshll.u32 s6, $0x1;
	s6 =	sadd.s32 s21, s4  }
0x9e: {  	[timem:s8], [sflag:s22] =	dma.local [hbm:s6], s20  }
0x9f: {  	_ =	swait.ge [sflag:s22], s20  }
0xa0: {  	s5 =	ssub.s32 $0x0, s20;
	[sflag:s22] =	ssyncset.done $0x0  }
0xa1: {  	[sflag:s22] =	ssyncadd.s32 s5;
	_ =	sdelay $0x1  }
0xa2: {  	s23 =	simm.s32 $0x1B8B  }
0xa3: {  	_ =	swait.ge [sflag:s23], $0x1  }
0xa4: {  	[sflag:s23] =	ssyncset.done $0x0  }
0xa5: {  	s25 =	simm.s32 $0x1B8E;
	s24 =	sld [smem:$0x3FFE];
	[sflag:s23] =	ssyncadd.s32 $0xFFFFFFFF  }
0xa6: {  	s26 =	simm.s32 $execute0_lowered;
	[smem:$0x3FD2] =	sst s25  }
0xa7: {  	s6 =	sshll.u32 s26, $0x1;
	_ =	strace $0x80000046;
	[dreg:$0x1] =	wrdreg $0xFFFFFFFF  }
0xa8: {  	s28 =	simm.s32 $_size_execute0_lowered;
	s4 =	sadd.s32 s4, s6;
	[dreg:$0x0] =	wrdreg $0x0  }
0xa9: {  	s6 =	sshll.u32 s28, $0x1;
	[dreg:$0x2] =	wrdreg s4  }
0xaa: {  	[dreg:$0x3] =	wrdreg s6  }
0xab: {  	[dreg:$0x4] =	wrdreg $0xC0  }
0xac: {  	_ =	task [dreg:s8], $0x5FFFF  }
0xad: {  	[dreg:$0x1] =	wrdreg $0xFFFFFFFF  }
0xae: {  	[dreg:$0x0] =	wrdreg $0x60  }
0xaf: {  	[dreg:$0x2] =	wrdreg s2  }
0xb0: {  	[dreg:$0x3] =	wrdreg s18  }
0xb1: {  	[dreg:$0x4] =	wrdreg s24  }
0xb2: {  	[dreg:$0x5] =	wrdreg $0x9  }
0xb3: {  	_ =	task.clear_ibuf [dreg:s8], $0x6FFFF;
	_ =	strace $0x90000046  }
0xb4: {  	s29 =	simm.s32 $0x9;
	_ =	strace $0x80000048  }
0xb5: {  	_ =	swait.ge [sflag:s29], $0x1  }
0xb6: {  	[sflag:s29] =	ssyncadd.s32 $0xFFFFFFFF  }
0xb7: {  	_ =	strace $0x90000048  }
0xb8: {  	_ =	sfence  }
0xb9: {  	s30 =	sld [smem:$0x0];
	_ =	sdelay $0x2  }
0xba: {  	s31 =	sshll.u32 s1, $0xD;
	s1 =	sshrl.u32 s1, $0x2  }
0xbb: {  	s3 =	sand.u32 $0x4000, s31;
	s1 =	sadd.s32 s1, s30  }
0xbc: {  	s0 =	sor.u32 s3, s0;
	s1 =	sshll.u32 s1, $0x11  }
0xbd: {  	s0 =	sor.u32 s1, s0  }
0xbe: {  	s0 =	sadd.s32 $0x8F2B, s0  }
0xbf: {  	[sflag:s0] =	ssyncadd.remote.s32 $0x1  }
0xc0: {  	_ =	sfence.sel $0xFFFF  }
0xc1: {  	[dreg:$0x0] =	wrdreg $0xFFFFFFFF;
	(pc) =	sbr.abs _section_cstart, $3  }
0xc2: {  	[dreg:$0x1] =	wrdreg $0xFFFFFFFF  }
0xc3: {  	_ =	task.clear_ibuf [dreg:s8], $0x2FFFF;
	_ =	strace $0x9FFFFFFF  }
0xc4: {  	(tm) =	ssettm $0x7FFFFFFF  }
0xc5: {  	_ =	shalt  }
tec
execute0_lowered:
.L_overlay_start_1:
0x0: {  	(tag) =	ssettag $0x1  }
0x1: {  	s0 =	rddreg [dreg:$0x0]  }
0x2: {  	s2 =	rddreg [dreg:$0x1];
	s1 =	srdreg.scid  }
0x3: {  	s7 =	stileid.u32;
	s4 =	rddreg [dreg:$0x2];
	s12 =	simm.s32 $0x2  }
0x4: {  	s14 =	simm.s32 $0x900;
	s15 =	simm.s32 $0x1100;
	s16 =	simm.s32 $0x1900  }
0x5: {  	s17 =	simm.s32 $0x2100;
	s18 =	simm.s32 $0x2900;
	s19 =	simm.s32 $0x3100  }
0x6: {  	s28 =	simm.s32 $0x7100;
	s29 =	simm.s32 $0x7900;
	s30 =	simm.s32 $0x8100  }
0x7: {  	s31 =	simm.s32 $0x8900;
	s10 =	simm.s32 $0xB100;
	s1 =	sand.u32 $0x1, s1  }
0x8: {  	s3 =	sshll.u32 s7, $0x1;
	s7 =	sshll.u32 s7, $0x2;
	s4 =	sadd.s32 $0xE00, s4  }
0x9: {  	s22 =	sadd.s32 $0x8, s0;
	s5 =	sor.u32 s1, s3;
	s3 =	simm.s32 $0x0  }
0xa: {  	s1 =	ssub.s32 $0x2, s1;
	s6 =	sshll.u32 s5, $0x7;
	s8 =	smul.u32 $0x6000, s5  }
0xb: {  	[smem:$0x7FF] =	sst s3;
	s20 =	sshrl.u32 s1, $0x1;
	s5 =	smul.u32 $0x30000, s5  }
0xc: {  	s6 =	sor.u32 s7, s6;
	_ =	strace $0x80000047;
	s1 =	ssub.s32 s1, s20  }
0xd: {  	s20 =	simm.s32 $0x3900;
	s6 =	sand.u32 $0x3B0, s6;
	s8 =	sadd.s32 s4, s8  }
0xe: {  	s5 =	sshrl.u32 s5, $0x3;
	s7 =	smax.u32 s1, $0x1;
	s21 =	sadd.s32 s0, s6  }
0xf: {  	s9 =	sadd.s32 s6, s22;
	s6 =	sor.u32 $0x40, s6;
	[dreg:$0xb] =	wrdreg s8  }
0x10: {  	s23 =	sadd.s32 $0x1800, s8;
	s4 =	sadd.s32 s4, s5;
	[dreg:$0x4] =	wrdreg s21  }
0x11: {  	s5 =	sadd.s32 $0x100, s2;
	s8 =	simm.s32 $0x3;
	[dreg:$0x5] =	wrdreg s9  }
0x12: {  	s0 =	sadd.s32 s0, s6;
	[dreg:$0x7] =	wrdreg s23;
	s24 =	sadd.s32 s6, s22  }
0x13: {  	s25 =	sadd.s32 $0x3000, s4;
	s6 =	sadd.s32 $0x200, s2;
	[dreg:$0x6] =	wrdreg s0  }
0x14: {  	s26 =	sadd.s32 $0x4800, s4;
	s4 =	simm.s32 $0x1;
	[dreg:$0x8] =	wrdreg s24  }
0x15: {  	v2 =	vlaneseq.u32;
	s21 =	simm.s32 $0x4100;
	s22 =	simm.s32 $0x4900;
	[dreg:$0x9] =	wrdreg s25  }
0x16: {  	vm0 =	vmmov $0xffff;
	v1 =	vshrl.u32 v2, $0x3;
	s23 =	simm.s32 $0x5100;
	s9 =	simm.s32 $0xA900;
	[dreg:$0xa] =	wrdreg s26  }
0x17: {  	v0 =	vand.u32 $0x7, v2;
	v2 =	vor.u32 $0x8, v2;
	v1 =	vmul.u32 $0x8, v1;
	s24 =	simm.s32 $0x5900;
	s25 =	simm.s32 $0x6100;
	s26 =	simm.s32 $0x6900  }
.LBB2_1:
0x18: {  	s13 =	rddreg [dreg:$0x4]  }
0x19: {  	[tilespmem:s3], [sflag:$0x3] =	stream.linear.gather [hbm4b:s13+s3], $0x40, $0x38;
	[tilespmem:$0x18100] =	vst v63  }
0x1a: {  	_ =	swait.ge [sflag:s8], $0x40  }
0x1b: {  	[sflag:s8] =	ssyncset.done $0x0  }
0x1c: {  	[sflag:s8] =	ssyncadd.s32 $0xFFFFFFC0  }
0x1d: {  	v3 =	vld [tilespmem:$0x0];
	_ =	sdelay $0x4  }
0x1e: {  	v4 =	vshrl.u32 v3, $0x3  }
0x1f: {  	v4 =	vmul.u32 $0x30, v4  }
0x20: {  	v3 =	vand.u32 $0x7, v3  }
0x21: {  	v3 =	vor.u32 v3, v4  }
0x22: {  	v4 =	vperm.xlane v3, v0;
	_ =	sdelay $0x1  }
0x23: {  	v4 =	vadd.s32 v1, v4;
	_ =	sdelay $0x3  }
0x24: {  	s0 =	simm.s32 $0x100;
	v3 =	vperm.xlane v3, v2  }
0x25: {  	[tilespmem:s0], [sflag:$0x1] =	stream.indirect_vreg.gather [hbm4b:s2+s3], $0x80, v4, vm0, $0xb8;
	[tilespmem:$0x18100] =	vst v63  }
0x26: {  	v3 =	vadd.s32 v1, v3  }
0x27: {  	[tilespmem:s14], [sflag:$0x1] =	stream.indirect_vreg.gather [hbm4b:s5+s3], $0x80, v4, vm0, $0xb8;
	[tilespmem:$0x18100] =	vst v63  }
0x28: {  	_ = 	snop  }
0x29: {  	[tilespmem:s15], [sflag:$0x1] =	stream.indirect_vreg.gather [hbm4b:s6+s3], $0x80, v4, vm0, $0xb8;
	[tilespmem:$0x18100] =	vst v63  }
0x2a: {  	_ = 	snop  }
0x2b: {  	[tilespmem:s16], [sflag:$0x1] =	stream.indirect_vreg.gather [hbm4b:s2+s3], $0x80, v3, vm0, $0xb8;
	[tilespmem:$0x18100] =	vst v63  }
0x2c: {  	_ = 	snop  }
0x2d: {  	[tilespmem:s17], [sflag:$0x1] =	stream.indirect_vreg.gather [hbm4b:s5+s3], $0x80, v3, vm0, $0xb8;
	[tilespmem:$0x18100] =	vst v63  }
0x2e: {  	_ = 	snop  }
0x2f: {  	[tilespmem:s18], [sflag:$0x1] =	stream.indirect_vreg.gather [hbm4b:s6+s3], $0x80, v3, vm0, $0xb8;
	[tilespmem:$0x18100] =	vst v63  }
0x30: {  	v3 =	vld [tilespmem:$0x10];
	_ =	sdelay $0x4  }
0x31: {  	v49 =	vshrl.u32 v3, $0x3  }
0x32: {  	v4 =	vmul.u32 $0x30, v49  }
0x33: {  	v3 =	vand.u32 $0x7, v3  }
0x34: {  	v3 =	vor.u32 v3, v4  }
0x35: {  	v4 =	vperm.xlane v3, v0;
	_ =	sdelay $0x1  }
0x36: {  	v4 =	vadd.s32 v1, v4;
	_ =	sdelay $0x3  }
0x37: {  	v3 =	vperm.xlane v3, v2  }
0x38: {  	[tilespmem:s19], [sflag:$0x1] =	stream.indirect_vreg.gather [hbm4b:s2+s3], $0x80, v4, vm0, $0xb8;
	[tilespmem:$0x18100] =	vst v63  }
0x39: {  	v3 =	vadd.s32 v1, v3  }
0x3a: {  	[tilespmem:s20], [sflag:$0x1] =	stream.indirect_vreg.gather [hbm4b:s5+s3], $0x80, v4, vm0, $0xb8;
	[tilespmem:$0x18100] =	vst v63  }
0x3b: {  	_ = 	snop  }
0x3c: {  	[tilespmem:s21], [sflag:$0x1] =	stream.indirect_vreg.gather [hbm4b:s6+s3], $0x80, v4, vm0, $0xb8;
	[tilespmem:$0x18100] =	vst v63  }
0x3d: {  	_ = 	snop  }
0x3e: {  	[tilespmem:s22], [sflag:$0x1] =	stream.indirect_vreg.gather [hbm4b:s2+s3], $0x80, v3, vm0, $0xb8;
	[tilespmem:$0x18100] =	vst v63  }
0x3f: {  	_ = 	snop  }
0x40: {  	[tilespmem:s23], [sflag:$0x1] =	stream.indirect_vreg.gather [hbm4b:s5+s3], $0x80, v3, vm0, $0xb8;
	[tilespmem:$0x18100] =	vst v63  }
0x41: {  	_ = 	snop  }
0x42: {  	[tilespmem:s24], [sflag:$0x1] =	stream.indirect_vreg.gather [hbm4b:s6+s3], $0x80, v3, vm0, $0xb8;
	[tilespmem:$0x18100] =	vst v63  }
0x43: {  	v3 =	vld [tilespmem:$0x20];
	_ =	sdelay $0x4  }
0x44: {  	v50 =	vshrl.u32 v3, $0x3  }
0x45: {  	v4 =	vmul.u32 $0x30, v50  }
0x46: {  	v3 =	vand.u32 $0x7, v3  }
0x47: {  	v3 =	vor.u32 v3, v4  }
0x48: {  	v4 =	vperm.xlane v3, v0;
	_ =	sdelay $0x1  }
0x49: {  	v4 =	vadd.s32 v1, v4;
	_ =	sdelay $0x3  }
0x4a: {  	v3 =	vperm.xlane v3, v2  }
0x4b: {  	[tilespmem:s25], [sflag:$0x1] =	stream.indirect_vreg.gather [hbm4b:s2+s3], $0x80, v4, vm0, $0xb8;
	[tilespmem:$0x18100] =	vst v63  }
0x4c: {  	v3 =	vadd.s32 v1, v3  }
0x4d: {  	[tilespmem:s26], [sflag:$0x1] =	stream.indirect_vreg.gather [hbm4b:s5+s3], $0x80, v4, vm0, $0xb8;
	[tilespmem:$0x18100] =	vst v63  }
0x4e: {  	_ = 	snop  }
0x4f: {  	[tilespmem:s28], [sflag:$0x1] =	stream.indirect_vreg.gather [hbm4b:s6+s3], $0x80, v4, vm0, $0xb8;
	[tilespmem:$0x18100] =	vst v63  }
0x50: {  	_ = 	snop  }
0x51: {  	[tilespmem:s29], [sflag:$0x1] =	stream.indirect_vreg.gather [hbm4b:s2+s3], $0x80, v3, vm0, $0xb8;
	[tilespmem:$0x18100] =	vst v63  }
0x52: {  	_ = 	snop  }
0x53: {  	[tilespmem:s30], [sflag:$0x1] =	stream.indirect_vreg.gather [hbm4b:s5+s3], $0x80, v3, vm0, $0xb8;
	[tilespmem:$0x18100] =	vst v63  }
0x54: {  	_ = 	snop  }
0x55: {  	[tilespmem:s31], [sflag:$0x1] =	stream.indirect_vreg.gather [hbm4b:s6+s3], $0x80, v3, vm0, $0xb8;
	[tilespmem:$0x18100] =	vst v63  }
0x56: {  	v3 =	vld [tilespmem:$0x30];
	_ =	sdelay $0x4  }
0x57: {  	v51 =	vshrl.u32 v3, $0x3  }
0x58: {  	v4 =	vmul.u32 $0x30, v51  }
0x59: {  	v3 =	vand.u32 $0x7, v3  }
0x5a: {  	v3 =	vor.u32 v3, v4  }
0x5b: {  	v4 =	vperm.xlane v3, v0;
	_ =	sdelay $0x1  }
0x5c: {  	v4 =	vadd.s32 v1, v4;
	_ =	sdelay $0x3  }
0x5d: {  	s1 =	simm.s32 $0x9100;
	v3 =	vperm.xlane v3, v2  }
0x5e: {  	[tilespmem:s1], [sflag:$0x1] =	stream.indirect_vreg.gather [hbm4b:s2+s3], $0x80, v4, vm0, $0xb8;
	[tilespmem:$0x18100] =	vst v63  }
0x5f: {  	s11 =	simm.s32 $0x9900;
	v3 =	vadd.s32 v1, v3  }
0x60: {  	[tilespmem:s11], [sflag:$0x1] =	stream.indirect_vreg.gather [hbm4b:s5+s3], $0x80, v4, vm0, $0xb8;
	[tilespmem:$0x18100] =	vst v63  }
0x61: {  	s13 =	simm.s32 $0xA100  }
0x62: {  	[tilespmem:s13], [sflag:$0x1] =	stream.indirect_vreg.gather [hbm4b:s6+s3], $0x80, v4, vm0, $0xb8;
	[tilespmem:$0x18100] =	vst v63  }
0x63: {  	_ = 	snop  }
0x64: {  	[tilespmem:s9], [sflag:$0x1] =	stream.indirect_vreg.gather [hbm4b:s2+s3], $0x80, v3, vm0, $0xb8;
	[tilespmem:$0x18100] =	vst v63  }
0x65: {  	_ = 	snop  }
0x66: {  	[tilespmem:s10], [sflag:$0x1] =	stream.indirect_vreg.gather [hbm4b:s5+s3], $0x80, v3, vm0, $0xb8;
	[tilespmem:$0x18100] =	vst v63  }
0x67: {  	s1 =	simm.s32 $0xB900  }
0x68: {  	[tilespmem:s1], [sflag:$0x1] =	stream.indirect_vreg.gather [hbm4b:s6+s3], $0x80, v3, vm0, $0xb8;
	[tilespmem:$0x18100] =	vst v63  }
0x69: {  	s0 =	rddreg [dreg:$0x5];
	s11 =	simm.s32 $0x80  }
0x6a: {  	[tilespmem:s11], [sflag:$0x3] =	stream.linear.gather [hbm4b:s0+s3], $0x40, $0x38;
	[tilespmem:$0x18100] =	vst v63  }
0x6b: {  	_ =	swait.ge [sflag:s8], $0x40  }
0x6c: {  	[sflag:s8] =	ssyncset.done $0x0  }
0x6d: {  	[sflag:s8] =	ssyncadd.s32 $0xFFFFFFC0  }
0x6e: {  	v3 =	vld [tilespmem:$0x80];
	_ =	sdelay $0x4  }
0x6f: {  	v52 =	vshrl.u32 v3, $0x3  }
0x70: {  	v4 =	vmul.u32 $0x30, v52  }
0x71: {  	v3 =	vand.u32 $0x7, v3  }
0x72: {  	v3 =	vor.u32 v3, v4  }
0x73: {  	v4 =	vperm.xlane v3, v0;
	_ =	sdelay $0x1  }
0x74: {  	v4 =	vadd.s32 v1, v4;
	_ =	sdelay $0x3  }
0x75: {  	s0 =	simm.s32 $0xC100;
	v3 =	vperm.xlane v3, v2  }
0x76: {  	[tilespmem:s0], [sflag:$0x2] =	stream.indirect_vreg.gather [hbm4b:s2+s3], $0x80, v4, vm0, $0xb8;
	[tilespmem:$0x18100] =	vst v63  }
0x77: {  	s11 =	simm.s32 $0xC900;
	v3 =	vadd.s32 v1, v3  }
0x78: {  	[tilespmem:s11], [sflag:$0x2] =	stream.indirect_vreg.gather [hbm4b:s5+s3], $0x80, v4, vm0, $0xb8;
	[tilespmem:$0x18100] =	vst v63  }
0x79: {  	s13 =	simm.s32 $0xD100  }
0x7a: {  	[tilespmem:s13], [sflag:$0x2] =	stream.indirect_vreg.gather [hbm4b:s6+s3], $0x80, v4, vm0, $0xb8;
	[tilespmem:$0x18100] =	vst v63  }
0x7b: {  	s13 =	simm.s32 $0xD900  }
0x7c: {  	[tilespmem:s13], [sflag:$0x2] =	stream.indirect_vreg.gather [hbm4b:s2+s3], $0x80, v3, vm0, $0xb8;
	[tilespmem:$0x18100] =	vst v63  }
0x7d: {  	s13 =	simm.s32 $0xE100  }
0x7e: {  	[tilespmem:s13], [sflag:$0x2] =	stream.indirect_vreg.gather [hbm4b:s5+s3], $0x80, v3, vm0, $0xb8;
	[tilespmem:$0x18100] =	vst v63  }
0x7f: {  	s13 =	simm.s32 $0xE900  }
0x80: {  	[tilespmem:s13], [sflag:$0x2] =	stream.indirect_vreg.gather [hbm4b:s6+s3], $0x80, v3, vm0, $0xb8;
	[tilespmem:$0x18100] =	vst v63  }
0x81: {  	v3 =	vld [tilespmem:$0x90];
	_ =	sdelay $0x4  }
0x82: {  	v53 =	vshrl.u32 v3, $0x3  }
0x83: {  	v4 =	vmul.u32 $0x30, v53  }
0x84: {  	v3 =	vand.u32 $0x7, v3  }
0x85: {  	v3 =	vor.u32 v3, v4  }
0x86: {  	v4 =	vperm.xlane v3, v0;
	_ =	sdelay $0x1  }
0x87: {  	v4 =	vadd.s32 v1, v4;
	_ =	sdelay $0x3  }
0x88: {  	s13 =	simm.s32 $0xF100;
	v3 =	vperm.xlane v3, v2  }
0x89: {  	[tilespmem:s13], [sflag:$0x2] =	stream.indirect_vreg.gather [hbm4b:s2+s3], $0x80, v4, vm0, $0xb8;
	[tilespmem:$0x18100] =	vst v63  }
0x8a: {  	v3 =	vadd.s32 v1, v3;
	s13 =	simm.s32 $0xF900  }
0x8b: {  	[tilespmem:s13], [sflag:$0x2] =	stream.indirect_vreg.gather [hbm4b:s5+s3], $0x80, v4, vm0, $0xb8;
	[tilespmem:$0x18100] =	vst v63  }
0x8c: {  	s13 =	simm.s32 $0x10100  }
0x8d: {  	[tilespmem:s13], [sflag:$0x2] =	stream.indirect_vreg.gather [hbm4b:s6+s3], $0x80, v4, vm0, $0xb8;
	[tilespmem:$0x18100] =	vst v63  }
0x8e: {  	s13 =	simm.s32 $0x10900  }
0x8f: {  	[tilespmem:s13], [sflag:$0x2] =	stream.indirect_vreg.gather [hbm4b:s2+s3], $0x80, v3, vm0, $0xb8;
	[tilespmem:$0x18100] =	vst v63  }
0x90: {  	s13 =	simm.s32 $0x11100  }
0x91: {  	[tilespmem:s13], [sflag:$0x2] =	stream.indirect_vreg.gather [hbm4b:s5+s3], $0x80, v3, vm0, $0xb8;
	[tilespmem:$0x18100] =	vst v63  }
0x92: {  	s13 =	simm.s32 $0x11900  }
0x93: {  	[tilespmem:s13], [sflag:$0x2] =	stream.indirect_vreg.gather [hbm4b:s6+s3], $0x80, v3, vm0, $0xb8;
	[tilespmem:$0x18100] =	vst v63  }
0x94: {  	v3 =	vld [tilespmem:$0xA0];
	_ =	sdelay $0x4  }
0x95: {  	v54 =	vshrl.u32 v3, $0x3  }
0x96: {  	v4 =	vmul.u32 $0x30, v54  }
0x97: {  	v3 =	vand.u32 $0x7, v3  }
0x98: {  	v3 =	vor.u32 v3, v4  }
0x99: {  	v4 =	vperm.xlane v3, v0;
	_ =	sdelay $0x1  }
0x9a: {  	v4 =	vadd.s32 v1, v4;
	_ =	sdelay $0x3  }
0x9b: {  	s13 =	simm.s32 $0x12100;
	v3 =	vperm.xlane v3, v2  }
0x9c: {  	[tilespmem:s13], [sflag:$0x2] =	stream.indirect_vreg.gather [hbm4b:s2+s3], $0x80, v4, vm0, $0xb8;
	[tilespmem:$0x18100] =	vst v63  }
0x9d: {  	v3 =	vadd.s32 v1, v3;
	s13 =	simm.s32 $0x12900  }
0x9e: {  	[tilespmem:s13], [sflag:$0x2] =	stream.indirect_vreg.gather [hbm4b:s5+s3], $0x80, v4, vm0, $0xb8;
	[tilespmem:$0x18100] =	vst v63  }
0x9f: {  	s13 =	simm.s32 $0x13100  }
0xa0: {  	[tilespmem:s13], [sflag:$0x2] =	stream.indirect_vreg.gather [hbm4b:s6+s3], $0x80, v4, vm0, $0xb8;
	[tilespmem:$0x18100] =	vst v63  }
0xa1: {  	s13 =	simm.s32 $0x13900  }
0xa2: {  	[tilespmem:s13], [sflag:$0x2] =	stream.indirect_vreg.gather [hbm4b:s2+s3], $0x80, v3, vm0, $0xb8;
	[tilespmem:$0x18100] =	vst v63  }
0xa3: {  	s13 =	simm.s32 $0x14100  }
0xa4: {  	[tilespmem:s13], [sflag:$0x2] =	stream.indirect_vreg.gather [hbm4b:s5+s3], $0x80, v3, vm0, $0xb8;
	[tilespmem:$0x18100] =	vst v63  }
0xa5: {  	s13 =	simm.s32 $0x14900  }
0xa6: {  	[tilespmem:s13], [sflag:$0x2] =	stream.indirect_vreg.gather [hbm4b:s6+s3], $0x80, v3, vm0, $0xb8;
	[tilespmem:$0x18100] =	vst v63  }
0xa7: {  	v3 =	vld [tilespmem:$0xB0];
	_ =	sdelay $0x4  }
0xa8: {  	v55 =	vshrl.u32 v3, $0x3  }
0xa9: {  	v4 =	vmul.u32 $0x30, v55  }
0xaa: {  	v3 =	vand.u32 $0x7, v3  }
0xab: {  	v3 =	vor.u32 v3, v4  }
0xac: {  	v4 =	vperm.xlane v3, v0;
	_ =	sdelay $0x1  }
0xad: {  	v4 =	vadd.s32 v1, v4;
	_ =	sdelay $0x3  }
0xae: {  	s13 =	simm.s32 $0x15100;
	v3 =	vperm.xlane v3, v2  }
0xaf: {  	[tilespmem:s13], [sflag:$0x2] =	stream.indirect_vreg.gather [hbm4b:s2+s3], $0x80, v4, vm0, $0xb8;
	[tilespmem:$0x18100] =	vst v63  }
0xb0: {  	v3 =	vadd.s32 v1, v3;
	s13 =	simm.s32 $0x15900  }
0xb1: {  	[tilespmem:s13], [sflag:$0x2] =	stream.indirect_vreg.gather [hbm4b:s5+s3], $0x80, v4, vm0, $0xb8;
	[tilespmem:$0x18100] =	vst v63  }
0xb2: {  	s13 =	simm.s32 $0x16100  }
0xb3: {  	[tilespmem:s13], [sflag:$0x2] =	stream.indirect_vreg.gather [hbm4b:s6+s3], $0x80, v4, vm0, $0xb8;
	[tilespmem:$0x18100] =	vst v63  }
0xb4: {  	s13 =	simm.s32 $0x16900  }
0xb5: {  	[tilespmem:s13], [sflag:$0x2] =	stream.indirect_vreg.gather [hbm4b:s2+s3], $0x80, v3, vm0, $0xb8;
	[tilespmem:$0x18100] =	vst v63  }
0xb6: {  	s13 =	simm.s32 $0x17100  }
0xb7: {  	[tilespmem:s13], [sflag:$0x2] =	stream.indirect_vreg.gather [hbm4b:s5+s3], $0x80, v3, vm0, $0xb8;
	[tilespmem:$0x18100] =	vst v63  }
0xb8: {  	s13 =	simm.s32 $0x17900  }
0xb9: {  	[tilespmem:s13], [sflag:$0x2] =	stream.indirect_vreg.gather [hbm4b:s6+s3], $0x80, v3, vm0, $0xb8;
	[tilespmem:$0x18100] =	vst v63  }
0xba: {  	_ =	swait.ge [sflag:s4], $0xC000  }
0xbb: {  	[sflag:s4] =	ssyncset.done $0x0  }
0xbc: {  	s11 =	simm.s32 $0x100;
	s13 =	rddreg [dreg:$0xb];
	[sflag:s4] =	ssyncadd.s32 $0xFFFF4000  }
0xbd: {  	[hbm4b:s13+s3] =	stream.linear.scatter [tilespmem:s11], [sflag:$0x3], $0xC000, $0x38;
	[tilespmem:$0x18100] =	vst v63  }
0xbe: {  	_ =	swait.ge [sflag:s8], $0xC000  }
0xbf: {  	[sflag:s8] =	ssyncset.done $0x0  }
0xc0: {  	s13 =	rddreg [dreg:$0x6];
	[sflag:s8] =	ssyncadd.s32 $0xFFFF4000  }
0xc1: {  	[tilespmem:s3], [sflag:$0x3] =	stream.linear.gather [hbm4b:s13+s3], $0x40, $0x38;
	[tilespmem:$0x18100] =	vst v63  }
0xc2: {  	_ =	swait.ge [sflag:s8], $0x40  }
0xc3: {  	[sflag:s8] =	ssyncset.done $0x0  }
0xc4: {  	[sflag:s8] =	ssyncadd.s32 $0xFFFFFFC0  }
0xc5: {  	v3 =	vld [tilespmem:$0x0];
	_ =	sdelay $0x4  }
0xc6: {  	v56 =	vshrl.u32 v3, $0x3  }
0xc7: {  	v4 =	vmul.u32 $0x30, v56  }
0xc8: {  	v3 =	vand.u32 $0x7, v3  }
0xc9: {  	v3 =	vor.u32 v3, v4  }
0xca: {  	v4 =	vperm.xlane v3, v0;
	_ =	sdelay $0x1  }
0xcb: {  	v4 =	vadd.s32 v1, v4;
	_ =	sdelay $0x3  }
0xcc: {  	v3 =	vperm.xlane v3, v2  }
0xcd: {  	[tilespmem:s11], [sflag:$0x1] =	stream.indirect_vreg.gather [hbm4b:s2+s3], $0x80, v4, vm0, $0xb8;
	[tilespmem:$0x18100] =	vst v63  }
0xce: {  	v3 =	vadd.s32 v1, v3  }
0xcf: {  	[tilespmem:s14], [sflag:$0x1] =	stream.indirect_vreg.gather [hbm4b:s5+s3], $0x80, v4, vm0, $0xb8;
	[tilespmem:$0x18100] =	vst v63  }
0xd0: {  	_ = 	snop  }
0xd1: {  	[tilespmem:s15], [sflag:$0x1] =	stream.indirect_vreg.gather [hbm4b:s6+s3], $0x80, v4, vm0, $0xb8;
	[tilespmem:$0x18100] =	vst v63  }
0xd2: {  	_ = 	snop  }
0xd3: {  	[tilespmem:s16], [sflag:$0x1] =	stream.indirect_vreg.gather [hbm4b:s2+s3], $0x80, v3, vm0, $0xb8;
	[tilespmem:$0x18100] =	vst v63  }
0xd4: {  	_ = 	snop  }
0xd5: {  	[tilespmem:s17], [sflag:$0x1] =	stream.indirect_vreg.gather [hbm4b:s5+s3], $0x80, v3, vm0, $0xb8;
	[tilespmem:$0x18100] =	vst v63  }
0xd6: {  	_ = 	snop  }
0xd7: {  	[tilespmem:s18], [sflag:$0x1] =	stream.indirect_vreg.gather [hbm4b:s6+s3], $0x80, v3, vm0, $0xb8;
	[tilespmem:$0x18100] =	vst v63  }
0xd8: {  	v3 =	vld [tilespmem:$0x10];
	_ =	sdelay $0x4  }
0xd9: {  	v57 =	vshrl.u32 v3, $0x3  }
0xda: {  	v4 =	vmul.u32 $0x30, v57  }
0xdb: {  	v3 =	vand.u32 $0x7, v3  }
0xdc: {  	v3 =	vor.u32 v3, v4  }
0xdd: {  	v4 =	vperm.xlane v3, v0;
	_ =	sdelay $0x1  }
0xde: {  	v4 =	vadd.s32 v1, v4;
	_ =	sdelay $0x3  }
0xdf: {  	v3 =	vperm.xlane v3, v2  }
0xe0: {  	[tilespmem:s19], [sflag:$0x1] =	stream.indirect_vreg.gather [hbm4b:s2+s3], $0x80, v4, vm0, $0xb8;
	[tilespmem:$0x18100] =	vst v63  }
0xe1: {  	v3 =	vadd.s32 v1, v3  }
0xe2: {  	[tilespmem:s20], [sflag:$0x1] =	stream.indirect_vreg.gather [hbm4b:s5+s3], $0x80, v4, vm0, $0xb8;
	[tilespmem:$0x18100] =	vst v63  }
0xe3: {  	_ = 	snop  }
0xe4: {  	[tilespmem:s21], [sflag:$0x1] =	stream.indirect_vreg.gather [hbm4b:s6+s3], $0x80, v4, vm0, $0xb8;
	[tilespmem:$0x18100] =	vst v63  }
0xe5: {  	_ = 	snop  }
0xe6: {  	[tilespmem:s22], [sflag:$0x1] =	stream.indirect_vreg.gather [hbm4b:s2+s3], $0x80, v3, vm0, $0xb8;
	[tilespmem:$0x18100] =	vst v63  }
0xe7: {  	_ = 	snop  }
0xe8: {  	[tilespmem:s23], [sflag:$0x1] =	stream.indirect_vreg.gather [hbm4b:s5+s3], $0x80, v3, vm0, $0xb8;
	[tilespmem:$0x18100] =	vst v63  }
0xe9: {  	_ = 	snop  }
0xea: {  	[tilespmem:s24], [sflag:$0x1] =	stream.indirect_vreg.gather [hbm4b:s6+s3], $0x80, v3, vm0, $0xb8;
	[tilespmem:$0x18100] =	vst v63  }
0xeb: {  	v3 =	vld [tilespmem:$0x20];
	_ =	sdelay $0x4  }
0xec: {  	v58 =	vshrl.u32 v3, $0x3  }
0xed: {  	v4 =	vmul.u32 $0x30, v58  }
0xee: {  	v3 =	vand.u32 $0x7, v3  }
0xef: {  	v3 =	vor.u32 v3, v4  }
0xf0: {  	v4 =	vperm.xlane v3, v0;
	_ =	sdelay $0x1  }
0xf1: {  	v4 =	vadd.s32 v1, v4;
	_ =	sdelay $0x3  }
0xf2: {  	v3 =	vperm.xlane v3, v2  }
0xf3: {  	[tilespmem:s25], [sflag:$0x1] =	stream.indirect_vreg.gather [hbm4b:s2+s3], $0x80, v4, vm0, $0xb8;
	[tilespmem:$0x18100] =	vst v63  }
0xf4: {  	v3 =	vadd.s32 v1, v3  }
0xf5: {  	[tilespmem:s26], [sflag:$0x1] =	stream.indirect_vreg.gather [hbm4b:s5+s3], $0x80, v4, vm0, $0xb8;
	[tilespmem:$0x18100] =	vst v63  }
0xf6: {  	_ = 	snop  }
0xf7: {  	[tilespmem:s28], [sflag:$0x1] =	stream.indirect_vreg.gather [hbm4b:s6+s3], $0x80, v4, vm0, $0xb8;
	[tilespmem:$0x18100] =	vst v63  }
0xf8: {  	_ = 	snop  }
0xf9: {  	[tilespmem:s29], [sflag:$0x1] =	stream.indirect_vreg.gather [hbm4b:s2+s3], $0x80, v3, vm0, $0xb8;
	[tilespmem:$0x18100] =	vst v63  }
0xfa: {  	_ = 	snop  }
0xfb: {  	[tilespmem:s30], [sflag:$0x1] =	stream.indirect_vreg.gather [hbm4b:s5+s3], $0x80, v3, vm0, $0xb8;
	[tilespmem:$0x18100] =	vst v63  }
0xfc: {  	_ = 	snop  }
0xfd: {  	[tilespmem:s31], [sflag:$0x1] =	stream.indirect_vreg.gather [hbm4b:s6+s3], $0x80, v3, vm0, $0xb8;
	[tilespmem:$0x18100] =	vst v63  }
0xfe: {  	v3 =	vld [tilespmem:$0x30];
	_ =	sdelay $0x4  }
0xff: {  	v59 =	vshrl.u32 v3, $0x3  }
0x100: {  	v4 =	vmul.u32 $0x30, v59  }
0x101: {  	v3 =	vand.u32 $0x7, v3  }
0x102: {  	v3 =	vor.u32 v3, v4  }
0x103: {  	v4 =	vperm.xlane v3, v0;
	_ =	sdelay $0x1  }
0x104: {  	v4 =	vadd.s32 v1, v4;
	_ =	sdelay $0x3  }
0x105: {  	s13 =	simm.s32 $0x9100;
	v3 =	vperm.xlane v3, v2  }
0x106: {  	[tilespmem:s13], [sflag:$0x1] =	stream.indirect_vreg.gather [hbm4b:s2+s3], $0x80, v4, vm0, $0xb8;
	[tilespmem:$0x18100] =	vst v63  }
0x107: {  	v3 =	vadd.s32 v1, v3;
	s13 =	simm.s32 $0x9900  }
0x108: {  	[tilespmem:s13], [sflag:$0x1] =	stream.indirect_vreg.gather [hbm4b:s5+s3], $0x80, v4, vm0, $0xb8;
	[tilespmem:$0x18100] =	vst v63  }
0x109: {  	s13 =	simm.s32 $0xA100  }
0x10a: {  	[tilespmem:s13], [sflag:$0x1] =	stream.indirect_vreg.gather [hbm4b:s6+s3], $0x80, v4, vm0, $0xb8;
	[tilespmem:$0x18100] =	vst v63  }
0x10b: {  	_ = 	snop  }
0x10c: {  	[tilespmem:s9], [sflag:$0x1] =	stream.indirect_vreg.gather [hbm4b:s2+s3], $0x80, v3, vm0, $0xb8;
	[tilespmem:$0x18100] =	vst v63  }
0x10d: {  	_ = 	snop  }
0x10e: {  	[tilespmem:s10], [sflag:$0x1] =	stream.indirect_vreg.gather [hbm4b:s5+s3], $0x80, v3, vm0, $0xb8;
	[tilespmem:$0x18100] =	vst v63  }
0x10f: {  	_ = 	snop  }
0x110: {  	[tilespmem:s1], [sflag:$0x1] =	stream.indirect_vreg.gather [hbm4b:s6+s3], $0x80, v3, vm0, $0xb8;
	[tilespmem:$0x18100] =	vst v63  }
0x111: {  	_ =	swait.ge [sflag:s12], $0xC000  }
0x112: {  	[sflag:s12] =	ssyncset.done $0x0  }
0x113: {  	s11 =	rddreg [dreg:$0x7];
	[sflag:s12] =	ssyncadd.s32 $0xFFFF4000  }
0x114: {  	[hbm4b:s11+s3] =	stream.linear.scatter [tilespmem:s0], [sflag:$0x3], $0xC000, $0x38;
	[tilespmem:$0x18100] =	vst v63  }
0x115: {  	_ =	swait.ge [sflag:s8], $0xC000  }
0x116: {  	[sflag:s8] =	ssyncset.done $0x0  }
0x117: {  	s11 =	simm.s32 $0x80;
	s1 =	rddreg [dreg:$0x8];
	[sflag:s8] =	ssyncadd.s32 $0xFFFF4000  }
0x118: {  	[tilespmem:s11], [sflag:$0x3] =	stream.linear.gather [hbm4b:s1+s3], $0x40, $0x38;
	[tilespmem:$0x18100] =	vst v63  }
0x119: {  	_ =	swait.ge [sflag:s8], $0x40  }
0x11a: {  	[sflag:s8] =	ssyncset.done $0x0  }
0x11b: {  	[sflag:s8] =	ssyncadd.s32 $0xFFFFFFC0  }
0x11c: {  	v3 =	vld [tilespmem:$0x80];
	_ =	sdelay $0x4  }
0x11d: {  	v60 =	vshrl.u32 v3, $0x3  }
0x11e: {  	v4 =	vmul.u32 $0x30, v60  }
0x11f: {  	v3 =	vand.u32 $0x7, v3  }
0x120: {  	v3 =	vor.u32 v3, v4  }
0x121: {  	v4 =	vperm.xlane v3, v0;
	_ =	sdelay $0x1  }
0x122: {  	v4 =	vadd.s32 v1, v4;
	_ =	sdelay $0x3  }
0x123: {  	v3 =	vperm.xlane v3, v2  }
0x124: {  	[tilespmem:s0], [sflag:$0x2] =	stream.indirect_vreg.gather [hbm4b:s2+s3], $0x80, v4, vm0, $0xb8;
	[tilespmem:$0x18100] =	vst v63  }
0x125: {  	s13 =	simm.s32 $0xC900;
	v3 =	vadd.s32 v1, v3  }
0x126: {  	[tilespmem:s13], [sflag:$0x2] =	stream.indirect_vreg.gather [hbm4b:s5+s3], $0x80, v4, vm0, $0xb8;
	[tilespmem:$0x18100] =	vst v63  }
0x127: {  	s11 =	simm.s32 $0xD100  }
0x128: {  	[tilespmem:s11], [sflag:$0x2] =	stream.indirect_vreg.gather [hbm4b:s6+s3], $0x80, v4, vm0, $0xb8;
	[tilespmem:$0x18100] =	vst v63  }
0x129: {  	s13 =	simm.s32 $0xD900  }
0x12a: {  	[tilespmem:s13], [sflag:$0x2] =	stream.indirect_vreg.gather [hbm4b:s2+s3], $0x80, v3, vm0, $0xb8;
	[tilespmem:$0x18100] =	vst v63  }
0x12b: {  	s11 =	simm.s32 $0xE100  }
0x12c: {  	[tilespmem:s11], [sflag:$0x2] =	stream.indirect_vreg.gather [hbm4b:s5+s3], $0x80, v3, vm0, $0xb8;
	[tilespmem:$0x18100] =	vst v63  }
0x12d: {  	s13 =	simm.s32 $0xE900  }
0x12e: {  	[tilespmem:s13], [sflag:$0x2] =	stream.indirect_vreg.gather [hbm4b:s6+s3], $0x80, v3, vm0, $0xb8;
	[tilespmem:$0x18100] =	vst v63  }
0x12f: {  	v3 =	vld [tilespmem:$0x90];
	_ =	sdelay $0x4  }
0x130: {  	v61 =	vshrl.u32 v3, $0x3  }
0x131: {  	v4 =	vmul.u32 $0x30, v61  }
0x132: {  	v3 =	vand.u32 $0x7, v3  }
0x133: {  	v3 =	vor.u32 v3, v4  }
0x134: {  	v4 =	vperm.xlane v3, v0;
	_ =	sdelay $0x1  }
0x135: {  	v4 =	vadd.s32 v1, v4;
	_ =	sdelay $0x3  }
0x136: {  	s11 =	simm.s32 $0xF100;
	v3 =	vperm.xlane v3, v2  }
0x137: {  	[tilespmem:s11], [sflag:$0x2] =	stream.indirect_vreg.gather [hbm4b:s2+s3], $0x80, v4, vm0, $0xb8;
	[tilespmem:$0x18100] =	vst v63  }
0x138: {  	s13 =	simm.s32 $0xF900;
	v3 =	vadd.s32 v1, v3  }
0x139: {  	[tilespmem:s13], [sflag:$0x2] =	stream.indirect_vreg.gather [hbm4b:s5+s3], $0x80, v4, vm0, $0xb8;
	[tilespmem:$0x18100] =	vst v63  }
0x13a: {  	s11 =	simm.s32 $0x10100  }
0x13b: {  	[tilespmem:s11], [sflag:$0x2] =	stream.indirect_vreg.gather [hbm4b:s6+s3], $0x80, v4, vm0, $0xb8;
	[tilespmem:$0x18100] =	vst v63  }
0x13c: {  	s13 =	simm.s32 $0x10900  }
0x13d: {  	[tilespmem:s13], [sflag:$0x2] =	stream.indirect_vreg.gather [hbm4b:s2+s3], $0x80, v3, vm0, $0xb8;
	[tilespmem:$0x18100] =	vst v63  }
0x13e: {  	s11 =	simm.s32 $0x11100  }
0x13f: {  	[tilespmem:s11], [sflag:$0x2] =	stream.indirect_vreg.gather [hbm4b:s5+s3], $0x80, v3, vm0, $0xb8;
	[tilespmem:$0x18100] =	vst v63  }
0x140: {  	s13 =	simm.s32 $0x11900  }
0x141: {  	[tilespmem:s13], [sflag:$0x2] =	stream.indirect_vreg.gather [hbm4b:s6+s3], $0x80, v3, vm0, $0xb8;
	[tilespmem:$0x18100] =	vst v63  }
0x142: {  	v3 =	vld [tilespmem:$0xA0];
	_ =	sdelay $0x4  }
0x143: {  	v62 =	vshrl.u32 v3, $0x3  }
0x144: {  	v4 =	vmul.u32 $0x30, v62  }
0x145: {  	v3 =	vand.u32 $0x7, v3  }
0x146: {  	v3 =	vor.u32 v3, v4  }
0x147: {  	v4 =	vperm.xlane v3, v0;
	_ =	sdelay $0x1  }
0x148: {  	v4 =	vadd.s32 v1, v4;
	_ =	sdelay $0x3  }
0x149: {  	s11 =	simm.s32 $0x12100;
	v3 =	vperm.xlane v3, v2  }
0x14a: {  	[tilespmem:s11], [sflag:$0x2] =	stream.indirect_vreg.gather [hbm4b:s2+s3], $0x80, v4, vm0, $0xb8;
	[tilespmem:$0x18100] =	vst v63  }
0x14b: {  	s13 =	simm.s32 $0x12900;
	v3 =	vadd.s32 v1, v3  }
0x14c: {  	[tilespmem:s13], [sflag:$0x2] =	stream.indirect_vreg.gather [hbm4b:s5+s3], $0x80, v4, vm0, $0xb8;
	[tilespmem:$0x18100] =	vst v63  }
0x14d: {  	s11 =	simm.s32 $0x13100  }
0x14e: {  	[tilespmem:s11], [sflag:$0x2] =	stream.indirect_vreg.gather [hbm4b:s6+s3], $0x80, v4, vm0, $0xb8;
	[tilespmem:$0x18100] =	vst v63  }
0x14f: {  	s13 =	simm.s32 $0x13900  }
0x150: {  	[tilespmem:s13], [sflag:$0x2] =	stream.indirect_vreg.gather [hbm4b:s2+s3], $0x80, v3, vm0, $0xb8;
	[tilespmem:$0x18100] =	vst v63  }
0x151: {  	s11 =	simm.s32 $0x14100  }
0x152: {  	[tilespmem:s11], [sflag:$0x2] =	stream.indirect_vreg.gather [hbm4b:s5+s3], $0x80, v3, vm0, $0xb8;
	[tilespmem:$0x18100] =	vst v63  }
0x153: {  	s13 =	simm.s32 $0x14900  }
0x154: {  	[tilespmem:s13], [sflag:$0x2] =	stream.indirect_vreg.gather [hbm4b:s6+s3], $0x80, v3, vm0, $0xb8;
	[tilespmem:$0x18100] =	vst v63  }
0x155: {  	v3 =	vld [tilespmem:$0xB0];
	_ =	sdelay $0x4  }
0x156: {  	v63 =	vshrl.u32 v3, $0x3  }
0x157: {  	v4 =	vmul.u32 $0x30, v63  }
0x158: {  	v3 =	vand.u32 $0x7, v3  }
0x159: {  	v3 =	vor.u32 v3, v4  }
0x15a: {  	v4 =	vperm.xlane v3, v0;
	_ =	sdelay $0x1  }
0x15b: {  	v4 =	vadd.s32 v1, v4;
	_ =	sdelay $0x3  }
0x15c: {  	s11 =	simm.s32 $0x15100;
	v3 =	vperm.xlane v3, v2  }
0x15d: {  	[tilespmem:s11], [sflag:$0x2] =	stream.indirect_vreg.gather [hbm4b:s2+s3], $0x80, v4, vm0, $0xb8;
	[tilespmem:$0x18100] =	vst v63  }
0x15e: {  	s13 =	simm.s32 $0x15900;
	v3 =	vadd.s32 v1, v3  }
0x15f: {  	[tilespmem:s13], [sflag:$0x2] =	stream.indirect_vreg.gather [hbm4b:s5+s3], $0x80, v4, vm0, $0xb8;
	[tilespmem:$0x18100] =	vst v63  }
0x160: {  	s11 =	simm.s32 $0x16100  }
0x161: {  	[tilespmem:s11], [sflag:$0x2] =	stream.indirect_vreg.gather [hbm4b:s6+s3], $0x80, v4, vm0, $0xb8;
	[tilespmem:$0x18100] =	vst v63  }
0x162: {  	s13 =	simm.s32 $0x16900  }
0x163: {  	[tilespmem:s13], [sflag:$0x2] =	stream.indirect_vreg.gather [hbm4b:s2+s3], $0x80, v3, vm0, $0xb8;
	[tilespmem:$0x18100] =	vst v63  }
0x164: {  	s11 =	simm.s32 $0x17100  }
0x165: {  	[tilespmem:s11], [sflag:$0x2] =	stream.indirect_vreg.gather [hbm4b:s5+s3], $0x80, v3, vm0, $0xb8;
	[tilespmem:$0x18100] =	vst v63  }
0x166: {  	s13 =	simm.s32 $0x17900  }
0x167: {  	[tilespmem:s13], [sflag:$0x2] =	stream.indirect_vreg.gather [hbm4b:s6+s3], $0x80, v3, vm0, $0xb8;
	[tilespmem:$0x18100] =	vst v63  }
0x168: {  	_ =	swait.ge [sflag:s4], $0xC000  }
0x169: {  	[sflag:s4] =	ssyncset.done $0x0  }
0x16a: {  	s11 =	simm.s32 $0x100;
	s1 =	rddreg [dreg:$0x9];
	[sflag:s4] =	ssyncadd.s32 $0xFFFF4000  }
0x16b: {  	[hbm4b:s1+s3] =	stream.linear.scatter [tilespmem:s11], [sflag:$0x3], $0xC000, $0x38;
	[tilespmem:$0x18100] =	vst v63  }
0x16c: {  	_ =	swait.ge [sflag:s8], $0xC000  }
0x16d: {  	[sflag:s8] =	ssyncset.done $0x0  }
0x16e: {  	[sflag:s8] =	ssyncadd.s32 $0xFFFF4000  }
0x16f: {  	_ =	swait.ge [sflag:s12], $0xC000  }
0x170: {  	p0 =	sne.s32 s7, $0x1;
	[sflag:s12] =	ssyncset.done $0x0  }
.Ltmp0:
0x171: {  	s11 =	rddreg [dreg:$0xa];
	[sflag:s12] =	ssyncadd.s32 $0xFFFF4000;
	(pc) =	sbr.rel @p0 .LBB2_1-.Ltmp0, $4  }
0x172: {  	[hbm4b:s11+s3] =	stream.linear.scatter [tilespmem:s0], [sflag:$0x3], $0xC000, $0x38;
	[tilespmem:$0x18100] =	vst v63  }
0x173: {  	_ =	swait.ge [sflag:s8], $0xC000  }
0x174: {  	[sflag:s8] =	ssyncset.done $0x0  }
0x175: {  	s7 =	sadd.s32 $0xFFFFFFFF, s7;
	[sflag:s8] =	ssyncadd.s32 $0xFFFF4000  }
0x176: {  	_ =	sfence.sel $0x180000  }
0x177: {  	[bflag:$0x0] =	sbarrier.arrive $0xFFFF  }
0x178: {  	_ =	strace $0x90000047  }
0x179: {  	s0 =	stileid.u32;
	[bflag:$0x2] =	sbarrier.arrive $0xFFFF  }
0x17a: {  	p0 =	sne.s32 s0, $0x0;
	s0 =	rddreg [dreg:$0x3]  }
0x17b: {  	s0 =	sadd.s32 @!p0 $0x100000, s0  }
0x17c: {  	[sflag:s0] =	ssyncadd.tile.s32 @!p0 $0x1;
	_ =	shalt  }
.Lfunc_end2:
_tile_overlayer_lowered:
.L_overlay_start_2:
0x17d: {  	(tag) =	ssettag $0x2  }
0x17e: {  	s0 =	rddreg [dreg:$0x0];
	s2 =	stileid.u32  }
0x17f: {  	s1 =	rddreg [dreg:$0x1];
	p0 =	sne.s32 s2, $0x0  }
0x180: {  	s3 =	rddreg [dreg:$0x2];
	[bflag:$0x3] =	sbarrier.arrive $0xFFFF;
	s2 =	simm.s32 @!p0 $0x1C03  }
0x181: {  	[timem:s3], [sflag:s2] =	dma.local @!p0 [hbm:s0], s1  }
0x182: {  	s0 =	simm.s32 @!p0 $0x3  }
0x183: {  	_ =	swait.ge @!p0 [sflag:s0], s1  }
0x184: {  	s1 =	ssub.s32 @!p0 $0x0, s1;
	[sflag:s0] =	ssyncset.done @!p0 $0x0  }
0x185: {  	[sflag:s0] =	ssyncadd.s32 @!p0 s1  }
0x186: {  	[bflag:$0x3] =	sbarrier.arrive $0xFFFF  }
0x187: {  	_ =	shalt  }

</sc_bundles>
